<compile_context>
chip_gen: v7x
topology: tpu7x:2x2x1
jax: 0.10.2.dev20260603
libtpu: 0.0.44.dev20260713+nightly
codegen_flags: <defaults>
</compile_context>

<pallas_src>
import jax
import jax.numpy as jnp
from jax import lax
from jax.experimental import pallas as pl
from jax.experimental.pallas import tpu as pltpu
from jax.experimental.pallas import tpu_sc as plsc

N = 10000
E = 320000
D = 128
FH = D // 2

NC = 2
NS = 16
EPT = E // NS
CHUNK = 128
NQ = 2
NCHUNK_T = 160
EPT_PAD = NCHUNK_T * CHUNK
QCHUNK = NCHUNK_T // NQ
QEDGE = QCHUNK * CHUNK
N_PAD = 10112
ROWS_PER_TILE = N_PAD // NS


def _sc_agg_body(xh_hbm, src_hbm, dst_hbm, out_hbm,
                 src_q, dst_q, rows_a, rows_b, x_sp, agg_sh, sem_a, sem_b):
    c = lax.axis_index("c")
    s = lax.axis_index("s")
    base = s * ROWS_PER_TILE

    pltpu.sync_copy(xh_hbm.at[c, pl.ds(base, ROWS_PER_TILE)],
                    x_sp.at[pl.ds(base, ROWS_PER_TILE)])

    zero16 = jnp.zeros((16,), jnp.float32)

    def zrow(r, carry):
        for k in range(FH // 16):
            rows_a[r, pl.ds(k * 16, 16)] = zero16
        return carry

    lax.fori_loop(0, CHUNK, zrow, 0)
    for t in range(ROWS_PER_TILE // CHUNK):
        pltpu.sync_copy(rows_a, agg_sh.at[pl.ds(base + t * CHUNK, CHUNK)])
    rem = ROWS_PER_TILE % CHUNK
    if rem:
        pltpu.sync_copy(
            rows_a.at[pl.ds(0, rem)],
            agg_sh.at[pl.ds(base + (ROWS_PER_TILE // CHUNK) * CHUNK, rem)],
        )

    plsc.subcore_barrier()

    for q in range(NQ):
        pltpu.sync_copy(src_hbm.at[s, q], src_q)
        pltpu.sync_copy(dst_hbm.at[s, q], dst_q)

        pltpu.async_copy(x_sp.at[src_q.at[pl.ds(0, CHUNK)]], rows_a, sem_a)

        def pair_step(i, carry):
            ja = 2 * i
            jb = 2 * i + 1
            pltpu.async_copy(x_sp.at[src_q.at[pl.ds(jb * CHUNK, CHUNK)]], rows_b, sem_b)
            pltpu.make_async_copy(x_sp.at[src_q.at[pl.ds(ja * CHUNK, CHUNK)]], rows_a, sem_a).wait()
            pltpu.sync_copy(rows_a, agg_sh.at[dst_q.at[ja]], add=True)

            @pl.when(i < QCHUNK // 2 - 1)
            def _():
                pltpu.async_copy(x_sp.at[src_q.at[pl.ds((ja + 2) * CHUNK, CHUNK)]], rows_a, sem_a)

            pltpu.make_async_copy(x_sp.at[src_q.at[pl.ds(jb * CHUNK, CHUNK)]], rows_b, sem_b).wait()
            pltpu.sync_copy(rows_b, agg_sh.at[dst_q.at[jb]], add=True)
            return carry

        lax.fori_loop(0, QCHUNK // 2, pair_step, 0)

    plsc.subcore_barrier()

    pltpu.sync_copy(
        agg_sh.at[pl.ds(base, ROWS_PER_TILE)],
        out_hbm.at[c, pl.ds(base, ROWS_PER_TILE)],
    )


@jax.jit
def _sc_agg(xh, srcq, dstq):
    mesh = plsc.VectorSubcoreMesh(core_axis_name="c", subcore_axis_name="s")
    return pl.kernel(
        _sc_agg_body,
        out_type=jax.ShapeDtypeStruct((NC, N_PAD, FH), jnp.float32),
        mesh=mesh,
        compiler_params=pltpu.CompilerParams(use_tc_tiling_on_sc=False),
        scratch_types=[
            pltpu.VMEM((QEDGE,), jnp.int32),
            pltpu.VMEM((QCHUNK, CHUNK), jnp.int32),
            pltpu.VMEM((CHUNK, FH), jnp.float32),
            pltpu.VMEM((CHUNK, FH), jnp.float32),
            pltpu.VMEM_SHARED((N_PAD, FH), jnp.float32),
            pltpu.VMEM_SHARED((N_PAD, FH), jnp.float32),
            pltpu.SemaphoreType.DMA,
            pltpu.SemaphoreType.DMA,
        ],
    )(xh, srcq, dstq)


def _mlp_mid_body(xh_ref, p_ref, w_ref, b_ref, o_ref):
    h = (jnp.concatenate([xh_ref[0], xh_ref[1]], axis=1)
         + jnp.concatenate([p_ref[0], p_ref[1]], axis=1))
    y = jnp.dot(h, w_ref[...], preferred_element_type=jnp.float32)
    y = jnp.maximum(y + b_ref[...], 0.0)
    o_ref[0] = y[:, :FH]
    o_ref[1] = y[:, FH:]


def _mlp_final_body(xh_ref, p_ref, w_ref, b_ref, o_ref):
    h = (jnp.concatenate([xh_ref[0], xh_ref[1]], axis=1)
         + jnp.concatenate([p_ref[0], p_ref[1]], axis=1))
    y = jnp.dot(h, w_ref[...], preferred_element_type=jnp.float32)
    o_ref[...] = jnp.maximum(y + b_ref[...], 0.0)


_BN = 1264
_HALVES_SPEC = pl.BlockSpec((NC, _BN, FH), lambda i: (0, i, 0))
_MLP_IN_SPECS = [
    _HALVES_SPEC,
    _HALVES_SPEC,
    pl.BlockSpec((D, D), lambda i: (0, 0)),
    pl.BlockSpec((1, D), lambda i: (0, 0)),
]


@jax.jit
def _tc_mlp_mid(xh, parts, w, b):
    return pl.pallas_call(
        _mlp_mid_body,
        grid=(N_PAD // _BN,),
        in_specs=_MLP_IN_SPECS,
        out_specs=_HALVES_SPEC,
        out_shape=jax.ShapeDtypeStruct((NC, N_PAD, FH), jnp.float32),
    )(xh, parts, w, b.reshape(1, D))


@jax.jit
def _tc_mlp_final(xh, parts, w, b):
    return pl.pallas_call(
        _mlp_final_body,
        grid=(N_PAD // _BN,),
        in_specs=_MLP_IN_SPECS,
        out_specs=pl.BlockSpec((_BN, D), lambda i: (i, 0)),
        out_shape=jax.ShapeDtypeStruct((N_PAD, D), jnp.float32),
    )(xh, parts, w, b.reshape(1, D))


def kernel(x, edge_index, W1, b1, W2, b2):
    pad = EPT_PAD - EPT
    srcq = jnp.pad(edge_index[0].reshape(NS, EPT), ((0, 0), (0, pad)),
                   constant_values=N).reshape(NS, NQ, QEDGE)
    dstq = jnp.pad(edge_index[1].reshape(NS, EPT), ((0, 0), (0, pad)),
                   constant_values=N).reshape(NS, NQ, QCHUNK, CHUNK)
    x2 = jnp.pad(x, ((0, N_PAD - N), (0, 0)))
    xh = jnp.stack([x2[:, :FH], x2[:, FH:]])

    p1 = _sc_agg(xh, srcq, dstq)
    hh = _tc_mlp_mid(xh, p1, W1, b1)
    p2 = _sc_agg(hh, srcq, dstq)
    out = _tc_mlp_final(hh, p2, W2, b2)
    return out[:N]

# --- scband reference (transcript-rebuilt; emitter-appended) ---
"""Pipeline reference for scband-gin-62706522522315 (READ-ONLY COPY).

The authoritative reference and input builder live on the scoring server;
editing this copy changes nothing except your own understanding.
"""

import jax, jax.numpy as jnp
import numpy as np

N = 10000
E = 320000
D_IN = 128
D_HID = 128
D_OUT = 128


def setup_inputs(seed: int = 0) -> dict:
    key = jax.random.key(seed)
    k1, k2, k3, k4, k5, k6 = jax.random.split(key, 6)
    x = jax.random.normal(k1, (N, D_IN), dtype=jnp.float32)
    edge_index = jax.random.randint(k2, (2, E), 0, N, dtype=jnp.int32)
    W1 = jax.random.normal(k3, (D_IN, D_HID), dtype=jnp.float32) * (1.0 / np.sqrt(D_IN))
    b1 = jax.random.normal(k4, (D_HID,), dtype=jnp.float32) * 0.01
    W2 = jax.random.normal(k5, (D_HID, D_OUT), dtype=jnp.float32) * (1.0 / np.sqrt(D_HID))
    b2 = jax.random.normal(k6, (D_OUT,), dtype=jnp.float32) * 0.01
    return {"x": x, "edge_index": edge_index, "W1": W1, "b1": b1, "W2": W2, "b2": b2}


def _gin_conv(x, edge_index, W, b):
    # PyG GINConv with default eps=0: mlp((1+eps)*x + sum_{j->i} x_j)
    src = edge_index[0]
    dst = edge_index[1]
    msgs = jnp.take(x, src, axis=0)                      # gather  [E, d]
    agg = jnp.zeros_like(x).at[dst].add(msgs)            # scatter-add [N, d]
    h = x + agg                                          # (1+eps)*x with eps=0
    return jax.nn.relu(h @ W + b)                        # mlp = Linear + ReLU


def reference(x, edge_index, W1, b1, W2, b2):
    h = _gin_conv(x, edge_index, W1, b1)   # conv1 (mlp1: Linear+ReLU)
    h = jax.nn.relu(h)                     # transition
    out = _gin_conv(h, edge_index, W2, b2) # conv2 (mlp2: Linear+ReLU)
    return out

if __name__ == "__main__":
    import jax
    _d = setup_inputs()
    print(jax.jit(kernel)(*tuple(_d.values())))

</pallas_src>

<mosaic_0001>
#map = affine_map<(d0, d1) -> (0, 0, 0)>
#map1 = affine_map<(d0, d1) -> (0, 0, 0, 0)>
module attributes {stable_mosaic.version = 14 : i64} {
  func.func @_sc_agg_body(%arg0: i32, %arg1: i32, %arg2: memref<2x10112x64xf32, #tpu.memory_space<hbm>>, %arg3: memref<16x2x10240xi32, #tpu.memory_space<hbm>>, %arg4: memref<16x2x80x128xi32, #tpu.memory_space<hbm>>, %arg5: memref<2x10112x64xf32, #tpu.memory_space<hbm>>, %arg6: memref<10240xi32, #tpu.memory_space<vmem>>, %arg7: memref<80x128xi32, #tpu.memory_space<vmem>>, %arg8: memref<128x64xf32, #tpu.memory_space<vmem>>, %arg9: memref<128x64xf32, #tpu.memory_space<vmem>>, %arg10: memref<10112x64xf32, #tpu.memory_space<vmem_shared>>, %arg11: memref<10112x64xf32, #tpu.memory_space<vmem_shared>>, %arg12: memref<!tpu.dma_semaphore, #tpu.memory_space<semaphore_mem>>, %arg13: memref<!tpu.dma_semaphore, #tpu.memory_space<semaphore_mem>>) attributes {dimension_semantics = [#tpu.dimension_semantics<core_parallel>, #tpu.dimension_semantics<subcore_parallel>], iteration_bounds = array<i64: 2, 16>, scalar_prefetch = 0 : i64, scratch_operands = 8 : i64, tpu.core_type = #tpu.core_type<sc_vector_subcore>, window_params = [{transform_indices = #map}, {transform_indices = #map}, {transform_indices = #map1}, {transform_indices = #map}]} {
    %mul3A = arith.constant 632 : i32
    %mul3A_0 = arith.muli %arg1, %mul3A : i32
    "tpu.region"() ({
      %run_scoped3A_41 = tpu.sem_alloc : memref<!tpu.dma_semaphore, #tpu.memory_space<semaphore_mem>>
      %dma_start3A_42 = arith.constant 0 : i32
      %dma_start3A_43 = tpu.memref_slice %arg10[%mul3A_0, %dma_start3A_42] : memref<10112x64xf32, #tpu.memory_space<vmem_shared>> -> memref<632x64xf32, #tpu.memory_space<vmem_shared>>
      %dma_start3A_44 = arith.constant 0 : i32
      %dma_start3A_45 = tpu.memref_slice %arg2[%arg0, %mul3A_0, %dma_start3A_44] : memref<2x10112x64xf32, #tpu.memory_space<hbm>> -> memref<1x632x64xf32, #tpu.memory_space<hbm>>
      %dma_start3A_46 = tpu.memref_squeeze %dma_start3A_45 : memref<1x632x64xf32, #tpu.memory_space<hbm>> -> memref<632x64xf32, #tpu.memory_space<hbm>>
      tpu.enqueue_dma source(%dma_start3A_46 : memref<632x64xf32, #tpu.memory_space<hbm>>) target(%dma_start3A_43 : memref<632x64xf32, #tpu.memory_space<vmem_shared>>) target_semaphore(%run_scoped3A_41 : memref<!tpu.dma_semaphore, #tpu.memory_space<semaphore_mem>>)
      %dma_wait3A = arith.constant 0 : i32
      %dma_wait3A_47 = tpu.memref_slice %arg10[%mul3A_0, %dma_wait3A] : memref<10112x64xf32, #tpu.memory_space<vmem_shared>> -> memref<632x64xf32, #tpu.memory_space<vmem_shared>>
      %dma_wait3A_48 = arith.constant 0 : i32
      %dma_wait3A_49 = tpu.memref_slice %arg2[%arg0, %mul3A_0, %dma_wait3A_48] : memref<2x10112x64xf32, #tpu.memory_space<hbm>> -> memref<1x632x64xf32, #tpu.memory_space<hbm>>
      %dma_wait3A_50 = tpu.memref_squeeze %dma_wait3A_49 : memref<1x632x64xf32, #tpu.memory_space<hbm>> -> memref<632x64xf32, #tpu.memory_space<hbm>>
      tpu.wait_dma2 semaphore(%run_scoped3A_41 : memref<!tpu.dma_semaphore, #tpu.memory_space<semaphore_mem>>) src(%dma_wait3A_50 : memref<632x64xf32, #tpu.memory_space<hbm>>) dst(%dma_wait3A_47 : memref<632x64xf32, #tpu.memory_space<vmem_shared>>)
      tpu.yield
    }) : () -> ()
    %broadcast_in_dim3A = arith.constant 0.000000e+00 : f32
    %broadcast_in_dim3A_1 = vector.broadcast %broadcast_in_dim3A : f32 to vector<16xf32>
    %scan3A = arith.constant 0 : i32
    %scan3A_2 = arith.constant 0 : i32
    %scan3A_3 = arith.constant 128 : i32
    %scan3A_4 = arith.addi %scan3A_2, %scan3A_3 : i32
    %scan3A_5 = arith.constant 1 : i32
    scf.for %scan3A_41 = %scan3A_2 to %scan3A_4 step %scan3A_5  : i32 {
      %swap3A = arith.index_cast %scan3A_41 : i32 to index
      %swap3A_42 = arith.constant 0 : index
      %swap3A_43 = tpu.vector_load %arg8[%swap3A, %swap3A_42] {strides = array<i32>} : memref<128x64xf32, #tpu.memory_space<vmem>>, vector<1x16xf32>,
      %swap3A_44 = vector.shape_cast %swap3A_43 : vector<1x16xf32> to vector<16xf32>
      %swap3A_45 = vector.shape_cast %broadcast_in_dim3A_1 : vector<16xf32> to vector<1x16xf32>
      tpu.vector_store %arg8[%swap3A, %swap3A_42], %swap3A_45 {strides = array<i32>} : memref<128x64xf32, #tpu.memory_space<vmem>>, vector<1x16xf32>,
      %swap3A_46 = arith.index_cast %scan3A_41 : i32 to index
      %swap3A_47 = arith.constant 16 : index
      %swap3A_48 = tpu.vector_load %arg8[%swap3A_46, %swap3A_47] {strides = array<i32>} : memref<128x64xf32, #tpu.memory_space<vmem>>, vector<1x16xf32>,
      %swap3A_49 = vector.shape_cast %swap3A_48 : vector<1x16xf32> to vector<16xf32>
      %swap3A_50 = vector.shape_cast %broadcast_in_dim3A_1 : vector<16xf32> to vector<1x16xf32>
      tpu.vector_store %arg8[%swap3A_46, %swap3A_47], %swap3A_50 {strides = array<i32>} : memref<128x64xf32, #tpu.memory_space<vmem>>, vector<1x16xf32>,
      %swap3A_51 = arith.index_cast %scan3A_41 : i32 to index
      %swap3A_52 = arith.constant 32 : index
      %swap3A_53 = tpu.vector_load %arg8[%swap3A_51, %swap3A_52] {strides = array<i32>} : memref<128x64xf32, #tpu.memory_space<vmem>>, vector<1x16xf32>,
      %swap3A_54 = vector.shape_cast %swap3A_53 : vector<1x16xf32> to vector<16xf32>
      %swap3A_55 = vector.shape_cast %broadcast_in_dim3A_1 : vector<16xf32> to vector<1x16xf32>
      tpu.vector_store %arg8[%swap3A_51, %swap3A_52], %swap3A_55 {strides = array<i32>} : memref<128x64xf32, #tpu.memory_space<vmem>>, vector<1x16xf32>,
      %swap3A_56 = arith.index_cast %scan3A_41 : i32 to index
      %swap3A_57 = arith.constant 48 : index
      %swap3A_58 = tpu.vector_load %arg8[%swap3A_56, %swap3A_57] {strides = array<i32>} : memref<128x64xf32, #tpu.memory_space<vmem>>, vector<1x16xf32>,
      %swap3A_59 = vector.shape_cast %swap3A_58 : vector<1x16xf32> to vector<16xf32>
      %swap3A_60 = vector.shape_cast %broadcast_in_dim3A_1 : vector<16xf32> to vector<1x16xf32>
      tpu.vector_store %arg8[%swap3A_56, %swap3A_57], %swap3A_60 {strides = array<i32>} : memref<128x64xf32, #tpu.memory_space<vmem>>, vector<1x16xf32>,
    }
    %scan3A_6 = arith.constant 128 : i32
    %add3A = arith.constant 0 : i32
    %add3A_7 = arith.addi %mul3A_0, %add3A : i32
    "tpu.region"() ({
      %run_scoped3A_41 = tpu.sem_alloc : memref<!tpu.dma_semaphore, #tpu.memory_space<semaphore_mem>>
      %dma_start3A_42 = arith.constant 0 : i32
      %dma_start3A_43 = tpu.memref_slice %arg11[%add3A_7, %dma_start3A_42] : memref<10112x64xf32, #tpu.memory_space<vmem_shared>> -> memref<128x64xf32, #tpu.memory_space<vmem_shared>>
      %dma_start3A_44 = arith.constant 0 : i32
      %dma_start3A_45 = tpu.memref_slice %arg11[%add3A_7, %dma_start3A_44] : memref<10112x64xf32, #tpu.memory_space<vmem_shared>> -> memref<128x64xf32, #tpu.memory_space<vmem_shared>>
      tpu.enqueue_dma source(%arg8 : memref<128x64xf32, #tpu.memory_space<vmem>>) target(%dma_start3A_45 : memref<128x64xf32, #tpu.memory_space<vmem_shared>>) target_semaphore(%run_scoped3A_41 : memref<!tpu.dma_semaphore, #tpu.memory_space<semaphore_mem>>)
      %dma_wait3A = arith.constant 0 : i32
      %dma_wait3A_46 = tpu.memref_slice %arg11[%add3A_7, %dma_wait3A] : memref<10112x64xf32, #tpu.memory_space<vmem_shared>> -> memref<128x64xf32, #tpu.memory_space<vmem_shared>>
      %dma_wait3A_47 = arith.constant 0 : i32
      %dma_wait3A_48 = tpu.memref_slice %arg11[%add3A_7, %dma_wait3A_47] : memref<10112x64xf32, #tpu.memory_space<vmem_shared>> -> memref<128x64xf32, #tpu.memory_space<vmem_shared>>
      tpu.wait_dma2 semaphore(%run_scoped3A_41 : memref<!tpu.dma_semaphore, #tpu.memory_space<semaphore_mem>>) src(%arg8 : memref<128x64xf32, #tpu.memory_space<vmem>>) dst(%dma_wait3A_48 : memref<128x64xf32, #tpu.memory_space<vmem_shared>>)
      tpu.yield
    }) : () -> ()
    %add3A_8 = arith.constant 128 : i32
    %add3A_9 = arith.addi %mul3A_0, %add3A_8 : i32
    "tpu.region"() ({
      %run_scoped3A_41 = tpu.sem_alloc : memref<!tpu.dma_semaphore, #tpu.memory_space<semaphore_mem>>
      %dma_start3A_42 = arith.constant 0 : i32
      %dma_start3A_43 = tpu.memref_slice %arg11[%add3A_9, %dma_start3A_42] : memref<10112x64xf32, #tpu.memory_space<vmem_shared>> -> memref<128x64xf32, #tpu.memory_space<vmem_shared>>
      %dma_start3A_44 = arith.constant 0 : i32
      %dma_start3A_45 = tpu.memref_slice %arg11[%add3A_9, %dma_start3A_44] : memref<10112x64xf32, #tpu.memory_space<vmem_shared>> -> memref<128x64xf32, #tpu.memory_space<vmem_shared>>
      tpu.enqueue_dma source(%arg8 : memref<128x64xf32, #tpu.memory_space<vmem>>) target(%dma_start3A_45 : memref<128x64xf32, #tpu.memory_space<vmem_shared>>) target_semaphore(%run_scoped3A_41 : memref<!tpu.dma_semaphore, #tpu.memory_space<semaphore_mem>>)
      %dma_wait3A = arith.constant 0 : i32
      %dma_wait3A_46 = tpu.memref_slice %arg11[%add3A_9, %dma_wait3A] : memref<10112x64xf32, #tpu.memory_space<vmem_shared>> -> memref<128x64xf32, #tpu.memory_space<vmem_shared>>
      %dma_wait3A_47 = arith.constant 0 : i32
      %dma_wait3A_48 = tpu.memref_slice %arg11[%add3A_9, %dma_wait3A_47] : memref<10112x64xf32, #tpu.memory_space<vmem_shared>> -> memref<128x64xf32, #tpu.memory_space<vmem_shared>>
      tpu.wait_dma2 semaphore(%run_scoped3A_41 : memref<!tpu.dma_semaphore, #tpu.memory_space<semaphore_mem>>) src(%arg8 : memref<128x64xf32, #tpu.memory_space<vmem>>) dst(%dma_wait3A_48 : memref<128x64xf32, #tpu.memory_space<vmem_shared>>)
      tpu.yield
    }) : () -> ()
    %add3A_10 = arith.constant 256 : i32
    %add3A_11 = arith.addi %mul3A_0, %add3A_10 : i32
    "tpu.region"() ({
      %run_scoped3A_41 = tpu.sem_alloc : memref<!tpu.dma_semaphore, #tpu.memory_space<semaphore_mem>>
      %dma_start3A_42 = arith.constant 0 : i32
      %dma_start3A_43 = tpu.memref_slice %arg11[%add3A_11, %dma_start3A_42] : memref<10112x64xf32, #tpu.memory_space<vmem_shared>> -> memref<128x64xf32, #tpu.memory_space<vmem_shared>>
      %dma_start3A_44 = arith.constant 0 : i32
      %dma_start3A_45 = tpu.memref_slice %arg11[%add3A_11, %dma_start3A_44] : memref<10112x64xf32, #tpu.memory_space<vmem_shared>> -> memref<128x64xf32, #tpu.memory_space<vmem_shared>>
      tpu.enqueue_dma source(%arg8 : memref<128x64xf32, #tpu.memory_space<vmem>>) target(%dma_start3A_45 : memref<128x64xf32, #tpu.memory_space<vmem_shared>>) target_semaphore(%run_scoped3A_41 : memref<!tpu.dma_semaphore, #tpu.memory_space<semaphore_mem>>)
      %dma_wait3A = arith.constant 0 : i32
      %dma_wait3A_46 = tpu.memref_slice %arg11[%add3A_11, %dma_wait3A] : memref<10112x64xf32, #tpu.memory_space<vmem_shared>> -> memref<128x64xf32, #tpu.memory_space<vmem_shared>>
      %dma_wait3A_47 = arith.constant 0 : i32
      %dma_wait3A_48 = tpu.memref_slice %arg11[%add3A_11, %dma_wait3A_47] : memref<10112x64xf32, #tpu.memory_space<vmem_shared>> -> memref<128x64xf32, #tpu.memory_space<vmem_shared>>
      tpu.wait_dma2 semaphore(%run_scoped3A_41 : memref<!tpu.dma_semaphore, #tpu.memory_space<semaphore_mem>>) src(%arg8 : memref<128x64xf32, #tpu.memory_space<vmem>>) dst(%dma_wait3A_48 : memref<128x64xf32, #tpu.memory_space<vmem_shared>>)
      tpu.yield
    }) : () -> ()
    %add3A_12 = arith.constant 384 : i32
    %add3A_13 = arith.addi %mul3A_0, %add3A_12 : i32
    "tpu.region"() ({
      %run_scoped3A_41 = tpu.sem_alloc : memref<!tpu.dma_semaphore, #tpu.memory_space<semaphore_mem>>
      %dma_start3A_42 = arith.constant 0 : i32
      %dma_start3A_43 = tpu.memref_slice %arg11[%add3A_13, %dma_start3A_42] : memref<10112x64xf32, #tpu.memory_space<vmem_shared>> -> memref<128x64xf32, #tpu.memory_space<vmem_shared>>
      %dma_start3A_44 = arith.constant 0 : i32
      %dma_start3A_45 = tpu.memref_slice %arg11[%add3A_13, %dma_start3A_44] : memref<10112x64xf32, #tpu.memory_space<vmem_shared>> -> memref<128x64xf32, #tpu.memory_space<vmem_shared>>
      tpu.enqueue_dma source(%arg8 : memref<128x64xf32, #tpu.memory_space<vmem>>) target(%dma_start3A_45 : memref<128x64xf32, #tpu.memory_space<vmem_shared>>) target_semaphore(%run_scoped3A_41 : memref<!tpu.dma_semaphore, #tpu.memory_space<semaphore_mem>>)
      %dma_wait3A = arith.constant 0 : i32
      %dma_wait3A_46 = tpu.memref_slice %arg11[%add3A_13, %dma_wait3A] : memref<10112x64xf32, #tpu.memory_space<vmem_shared>> -> memref<128x64xf32, #tpu.memory_space<vmem_shared>>
      %dma_wait3A_47 = arith.constant 0 : i32
      %dma_wait3A_48 = tpu.memref_slice %arg11[%add3A_13, %dma_wait3A_47] : memref<10112x64xf32, #tpu.memory_space<vmem_shared>> -> memref<128x64xf32, #tpu.memory_space<vmem_shared>>
      tpu.wait_dma2 semaphore(%run_scoped3A_41 : memref<!tpu.dma_semaphore, #tpu.memory_space<semaphore_mem>>) src(%arg8 : memref<128x64xf32, #tpu.memory_space<vmem>>) dst(%dma_wait3A_48 : memref<128x64xf32, #tpu.memory_space<vmem_shared>>)
      tpu.yield
    }) : () -> ()
    %add3A_14 = arith.constant 512 : i32
    %add3A_15 = arith.addi %mul3A_0, %add3A_14 : i32
    "tpu.region"() ({
      %run_scoped3A_41 = tpu.sem_alloc : memref<!tpu.dma_semaphore, #tpu.memory_space<semaphore_mem>>
      %dma_start3A_42 = arith.constant 0 : i32
      %dma_start3A_43 = arith.constant 0 : i32
      %dma_start3A_44 = tpu.memref_slice %arg8[%dma_start3A_42, %dma_start3A_43] : memref<128x64xf32, #tpu.memory_space<vmem>> -> memref<120x64xf32, #tpu.memory_space<vmem>>
      %dma_start3A_45 = arith.constant 0 : i32
      %dma_start3A_46 = tpu.memref_slice %arg11[%add3A_15, %dma_start3A_45] : memref<10112x64xf32, #tpu.memory_space<vmem_shared>> -> memref<120x64xf32, #tpu.memory_space<vmem_shared>>
      %dma_start3A_47 = arith.constant 0 : i32
      %dma_start3A_48 = tpu.memref_slice %arg11[%add3A_15, %dma_start3A_47] : memref<10112x64xf32, #tpu.memory_space<vmem_shared>> -> memref<120x64xf32, #tpu.memory_space<vmem_shared>>
      %dma_start3A_49 = arith.constant 0 : i32
      %dma_start3A_50 = arith.constant 0 : i32
      %dma_start3A_51 = tpu.memref_slice %arg8[%dma_start3A_49, %dma_start3A_50] : memref<128x64xf32, #tpu.memory_space<vmem>> -> memref<120x64xf32, #tpu.memory_space<vmem>>
      tpu.enqueue_dma source(%dma_start3A_51 : memref<120x64xf32, #tpu.memory_space<vmem>>) target(%dma_start3A_48 : memref<120x64xf32, #tpu.memory_space<vmem_shared>>) target_semaphore(%run_scoped3A_41 : memref<!tpu.dma_semaphore, #tpu.memory_space<semaphore_mem>>)
      %dma_wait3A = arith.constant 0 : i32
      %dma_wait3A_52 = arith.constant 0 : i32
      %dma_wait3A_53 = tpu.memref_slice %arg8[%dma_wait3A, %dma_wait3A_52] : memref<128x64xf32, #tpu.memory_space<vmem>> -> memref<120x64xf32, #tpu.memory_space<vmem>>
      %dma_wait3A_54 = arith.constant 0 : i32
      %dma_wait3A_55 = tpu.memref_slice %arg11[%add3A_15, %dma_wait3A_54] : memref<10112x64xf32, #tpu.memory_space<vmem_shared>> -> memref<120x64xf32, #tpu.memory_space<vmem_shared>>
      %dma_wait3A_56 = arith.constant 0 : i32
      %dma_wait3A_57 = tpu.memref_slice %arg11[%add3A_15, %dma_wait3A_56] : memref<10112x64xf32, #tpu.memory_space<vmem_shared>> -> memref<120x64xf32, #tpu.memory_space<vmem_shared>>
      %dma_wait3A_58 = arith.constant 0 : i32
      %dma_wait3A_59 = arith.constant 0 : i32
      %dma_wait3A_60 = tpu.memref_slice %arg8[%dma_wait3A_58, %dma_wait3A_59] : memref<128x64xf32, #tpu.memory_space<vmem>> -> memref<120x64xf32, #tpu.memory_space<vmem>>
      tpu.wait_dma2 semaphore(%run_scoped3A_41 : memref<!tpu.dma_semaphore, #tpu.memory_space<semaphore_mem>>) src(%dma_wait3A_60 : memref<120x64xf32, #tpu.memory_space<vmem>>) dst(%dma_wait3A_57 : memref<120x64xf32, #tpu.memory_space<vmem_shared>>)
      tpu.yield
    }) : () -> ()
    %barrier3A = arith.constant 0 : index
    tpu.barrier barrier_id(%barrier3A)
    %run_scoped3A = arith.constant 0 : i32
    "tpu.region"() ({
      %run_scoped3A_41 = tpu.sem_alloc : memref<!tpu.dma_semaphore, #tpu.memory_space<semaphore_mem>>
      %dma_start3A_42 = arith.constant 0 : i32
      %dma_start3A_43 = tpu.memref_slice %arg3[%arg1, %run_scoped3A, %dma_start3A_42] : memref<16x2x10240xi32, #tpu.memory_space<hbm>> -> memref<1x1x10240xi32, #tpu.memory_space<hbm>>
      %dma_start3A_44 = tpu.memref_squeeze %dma_start3A_43 : memref<1x1x10240xi32, #tpu.memory_space<hbm>> -> memref<10240xi32, #tpu.memory_space<hbm>>
      %dma_start3A_45 = arith.constant 0 : i32
      %dma_start3A_46 = tpu.memref_slice %arg3[%arg1, %run_scoped3A, %dma_start3A_45] : memref<16x2x10240xi32, #tpu.memory_space<hbm>> -> memref<1x1x10240xi32, #tpu.memory_space<hbm>>
      %dma_start3A_47 = tpu.memref_squeeze %dma_start3A_46 : memref<1x1x10240xi32, #tpu.memory_space<hbm>> -> memref<10240xi32, #tpu.memory_space<hbm>>
      tpu.enqueue_dma source(%dma_start3A_47 : memref<10240xi32, #tpu.memory_space<hbm>>) target(%arg6 : memref<10240xi32, #tpu.memory_space<vmem>>) target_semaphore(%run_scoped3A_41 : memref<!tpu.dma_semaphore, #tpu.memory_space<semaphore_mem>>)
      %dma_wait3A = arith.constant 0 : i32
      %dma_wait3A_48 = tpu.memref_slice %arg3[%arg1, %run_scoped3A, %dma_wait3A] : memref<16x2x10240xi32, #tpu.memory_space<hbm>> -> memref<1x1x10240xi32, #tpu.memory_space<hbm>>
      %dma_wait3A_49 = tpu.memref_squeeze %dma_wait3A_48 : memref<1x1x10240xi32, #tpu.memory_space<hbm>> -> memref<10240xi32, #tpu.memory_space<hbm>>
      %dma_wait3A_50 = arith.constant 0 : i32
      %dma_wait3A_51 = tpu.memref_slice %arg3[%arg1, %run_scoped3A, %dma_wait3A_50] : memref<16x2x10240xi32, #tpu.memory_space<hbm>> -> memref<1x1x10240xi32, #tpu.memory_space<hbm>>
      %dma_wait3A_52 = tpu.memref_squeeze %dma_wait3A_51 : memref<1x1x10240xi32, #tpu.memory_space<hbm>> -> memref<10240xi32, #tpu.memory_space<hbm>>
      tpu.wait_dma2 semaphore(%run_scoped3A_41 : memref<!tpu.dma_semaphore, #tpu.memory_space<semaphore_mem>>) src(%dma_wait3A_52 : memref<10240xi32, #tpu.memory_space<hbm>>) dst(%arg6 : memref<10240xi32, #tpu.memory_space<vmem>>)
      tpu.yield
    }) : () -> ()
    %run_scoped3A_16 = arith.constant 0 : i32
    "tpu.region"() ({
      %run_scoped3A_41 = tpu.sem_alloc : memref<!tpu.dma_semaphore, #tpu.memory_space<semaphore_mem>>
      %dma_start3A_42 = arith.constant 0 : i32
      %dma_start3A_43 = arith.constant 0 : i32
      %dma_start3A_44 = tpu.memref_slice %arg4[%arg1, %run_scoped3A_16, %dma_start3A_42, %dma_start3A_43] : memref<16x2x80x128xi32, #tpu.memory_space<hbm>> -> memref<1x1x80x128xi32, #tpu.memory_space<hbm>>
      %dma_start3A_45 = tpu.memref_squeeze %dma_start3A_44 : memref<1x1x80x128xi32, #tpu.memory_space<hbm>> -> memref<80x128xi32, #tpu.memory_space<hbm>>
      %dma_start3A_46 = arith.constant 0 : i32
      %dma_start3A_47 = arith.constant 0 : i32
      %dma_start3A_48 = tpu.memref_slice %arg4[%arg1, %run_scoped3A_16, %dma_start3A_46, %dma_start3A_47] : memref<16x2x80x128xi32, #tpu.memory_space<hbm>> -> memref<1x1x80x128xi32, #tpu.memory_space<hbm>>
      %dma_start3A_49 = tpu.memref_squeeze %dma_start3A_48 : memref<1x1x80x128xi32, #tpu.memory_space<hbm>> -> memref<80x128xi32, #tpu.memory_space<hbm>>
      tpu.enqueue_dma source(%dma_start3A_49 : memref<80x128xi32, #tpu.memory_space<hbm>>) target(%arg7 : memref<80x128xi32, #tpu.memory_space<vmem>>) target_semaphore(%run_scoped3A_41 : memref<!tpu.dma_semaphore, #tpu.memory_space<semaphore_mem>>)
      %dma_wait3A = arith.constant 0 : i32
      %dma_wait3A_50 = arith.constant 0 : i32
      %dma_wait3A_51 = tpu.memref_slice %arg4[%arg1, %run_scoped3A_16, %dma_wait3A, %dma_wait3A_50] : memref<16x2x80x128xi32, #tpu.memory_space<hbm>> -> memref<1x1x80x128xi32, #tpu.memory_space<hbm>>
      %dma_wait3A_52 = tpu.memref_squeeze %dma_wait3A_51 : memref<1x1x80x128xi32, #tpu.memory_space<hbm>> -> memref<80x128xi32, #tpu.memory_space<hbm>>
      %dma_wait3A_53 = arith.constant 0 : i32
      %dma_wait3A_54 = arith.constant 0 : i32
      %dma_wait3A_55 = tpu.memref_slice %arg4[%arg1, %run_scoped3A_16, %dma_wait3A_53, %dma_wait3A_54] : memref<16x2x80x128xi32, #tpu.memory_space<hbm>> -> memref<1x1x80x128xi32, #tpu.memory_space<hbm>>
      %dma_wait3A_56 = tpu.memref_squeeze %dma_wait3A_55 : memref<1x1x80x128xi32, #tpu.memory_space<hbm>> -> memref<80x128xi32, #tpu.memory_space<hbm>>
      tpu.wait_dma2 semaphore(%run_scoped3A_41 : memref<!tpu.dma_semaphore, #tpu.memory_space<semaphore_mem>>) src(%dma_wait3A_56 : memref<80x128xi32, #tpu.memory_space<hbm>>) dst(%arg7 : memref<80x128xi32, #tpu.memory_space<vmem>>)
      tpu.yield
    }) : () -> ()
    %dma_start3A = arith.constant 0 : i32
    %dma_start3A_17 = tpu.memref_slice %arg6[%dma_start3A] : memref<10240xi32, #tpu.memory_space<vmem>> -> memref<128xi32, #tpu.memory_space<vmem>>
    %dma_start3A_18 = arith.constant 0 : i32
    %dma_start3A_19 = arith.constant 0 : i32
    %dma_start3A_20 = tpu.memref_slice %arg10[%dma_start3A_18, %dma_start3A_19] : memref<10112x64xf32, #tpu.memory_space<vmem_shared>> -> memref<10112x64xf32, #tpu.memory_space<vmem_shared>>
    tpu.enqueue_indirect_dma source(%dma_start3A_20 : memref<10112x64xf32, #tpu.memory_space<vmem_shared>>) target(%arg8 : memref<128x64xf32, #tpu.memory_space<vmem>>) offsets(%dma_start3A_17 : memref<128xi32, #tpu.memory_space<vmem>>) semaphore(%arg12 : memref<!tpu.dma_semaphore, #tpu.memory_space<semaphore_mem>>)
    %scan3A_21 = arith.constant 0 : i32
    %scan3A_22 = arith.constant 0 : i32
    %scan3A_23 = arith.constant 40 : i32
    %scan3A_24 = arith.addi %scan3A_22, %scan3A_23 : i32
    %scan3A_25 = arith.constant 1 : i32
    scf.for %scan3A_41 = %scan3A_22 to %scan3A_24 step %scan3A_25  : i32 {
      %mul3A_42 = arith.constant 2 : i32
      %mul3A_43 = arith.muli %mul3A_42, %scan3A_41 : i32
      %mul3A_44 = arith.constant 2 : i32
      %mul3A_45 = arith.muli %mul3A_44, %scan3A_41 : i32
      %add3A_46 = arith.constant 1 : i32
      %add3A_47 = arith.addi %mul3A_45, %add3A_46 : i32
      %mul3A_48 = arith.constant 128 : i32
      %mul3A_49 = arith.muli %add3A_47, %mul3A_48 : i32
      %dma_start3A_50 = tpu.memref_slice %arg6[%mul3A_49] : memref<10240xi32, #tpu.memory_space<vmem>> -> memref<128xi32, #tpu.memory_space<vmem>>
      %dma_start3A_51 = arith.constant 0 : i32
      %dma_start3A_52 = arith.constant 0 : i32
      %dma_start3A_53 = tpu.memref_slice %arg10[%dma_start3A_51, %dma_start3A_52] : memref<10112x64xf32, #tpu.memory_space<vmem_shared>> -> memref<10112x64xf32, #tpu.memory_space<vmem_shared>>
      tpu.enqueue_indirect_dma source(%dma_start3A_53 : memref<10112x64xf32, #tpu.memory_space<vmem_shared>>) target(%arg9 : memref<128x64xf32, #tpu.memory_space<vmem>>) offsets(%dma_start3A_50 : memref<128xi32, #tpu.memory_space<vmem>>) semaphore(%arg13 : memref<!tpu.dma_semaphore, #tpu.memory_space<semaphore_mem>>)
      %mul3A_54 = arith.constant 128 : i32
      %mul3A_55 = arith.muli %mul3A_43, %mul3A_54 : i32
      %dma_wait3A = tpu.memref_slice %arg6[%mul3A_55] : memref<10240xi32, #tpu.memory_space<vmem>> -> memref<128xi32, #tpu.memory_space<vmem>>
      %dma_wait3A_56 = arith.constant 0 : i32
      %dma_wait3A_57 = arith.constant 0 : i32
      %dma_wait3A_58 = tpu.memref_slice %arg10[%dma_wait3A_56, %dma_wait3A_57] : memref<10112x64xf32, #tpu.memory_space<vmem_shared>> -> memref<10112x64xf32, #tpu.memory_space<vmem_shared>>
      tpu.wait_indirect_dma semaphore(%arg12 : memref<!tpu.dma_semaphore, #tpu.memory_space<semaphore_mem>>) src(%dma_wait3A_58 : memref<10112x64xf32, #tpu.memory_space<vmem_shared>>) dst(%arg8 : memref<128x64xf32, #tpu.memory_space<vmem>>)
      "tpu.region"() ({
        %run_scoped3A_67 = tpu.sem_alloc : memref<!tpu.dma_semaphore, #tpu.memory_space<semaphore_mem>>
        %dma_start3A_68 = arith.constant 0 : i32
        %dma_start3A_69 = tpu.memref_slice %arg7[%mul3A_43, %dma_start3A_68] : memref<80x128xi32, #tpu.memory_space<vmem>> -> memref<1x128xi32, #tpu.memory_space<vmem>>
        %dma_start3A_70 = tpu.memref_squeeze %dma_start3A_69 : memref<1x128xi32, #tpu.memory_space<vmem>> -> memref<128xi32, #tpu.memory_space<vmem>>
        %dma_start3A_71 = arith.constant 0 : i32
        %dma_start3A_72 = arith.constant 0 : i32
        %dma_start3A_73 = tpu.memref_slice %arg11[%dma_start3A_71, %dma_start3A_72] : memref<10112x64xf32, #tpu.memory_space<vmem_shared>> -> memref<10112x64xf32, #tpu.memory_space<vmem_shared>>
        tpu.enqueue_indirect_dma source(%arg8 : memref<128x64xf32, #tpu.memory_space<vmem>>) target(%dma_start3A_73 : memref<10112x64xf32, #tpu.memory_space<vmem_shared>>) offsets(%dma_start3A_70 : memref<128xi32, #tpu.memory_space<vmem>>) semaphore(%run_scoped3A_67 : memref<!tpu.dma_semaphore, #tpu.memory_space<semaphore_mem>>) {add = true}
        %dma_wait3A_74 = arith.constant 0 : i32
        %dma_wait3A_75 = tpu.memref_slice %arg7[%mul3A_43, %dma_wait3A_74] : memref<80x128xi32, #tpu.memory_space<vmem>> -> memref<1x128xi32, #tpu.memory_space<vmem>>
        %dma_wait3A_76 = tpu.memref_squeeze %dma_wait3A_75 : memref<1x128xi32, #tpu.memory_space<vmem>> -> memref<128xi32, #tpu.memory_space<vmem>>
        %dma_wait3A_77 = arith.constant 0 : i32
        %dma_wait3A_78 = arith.constant 0 : i32
        %dma_wait3A_79 = tpu.memref_slice %arg11[%dma_wait3A_77, %dma_wait3A_78] : memref<10112x64xf32, #tpu.memory_space<vmem_shared>> -> memref<10112x64xf32, #tpu.memory_space<vmem_shared>>
        tpu.wait_indirect_dma semaphore(%run_scoped3A_67 : memref<!tpu.dma_semaphore, #tpu.memory_space<semaphore_mem>>) src(%arg8 : memref<128x64xf32, #tpu.memory_space<vmem>>) dst(%dma_wait3A_79 : memref<10112x64xf32, #tpu.memory_space<vmem_shared>>)
        tpu.yield
      }) : () -> ()
      %lt3A = arith.constant 39 : i32
      %lt3A_59 = arith.cmpi slt, %scan3A_41, %lt3A : i32
      %convert_element_type3A = arith.extui %lt3A_59 : i1 to i32
      %cond3A = arith.constant 0 : i32
      %cond3A_60 = arith.cmpi ne, %convert_element_type3A, %cond3A : i32
      scf.if %cond3A_60 {
        %add3A_67 = arith.constant 2 : i32
        %add3A_68 = arith.addi %mul3A_43, %add3A_67 : i32
        %mul3A_69 = arith.constant 128 : i32
        %mul3A_70 = arith.muli %add3A_68, %mul3A_69 : i32
        %dma_start3A_71 = tpu.memref_slice %arg6[%mul3A_70] : memref<10240xi32, #tpu.memory_space<vmem>> -> memref<128xi32, #tpu.memory_space<vmem>>
        %dma_start3A_72 = arith.constant 0 : i32
        %dma_start3A_73 = arith.constant 0 : i32
        %dma_start3A_74 = tpu.memref_slice %arg10[%dma_start3A_72, %dma_start3A_73] : memref<10112x64xf32, #tpu.memory_space<vmem_shared>> -> memref<10112x64xf32, #tpu.memory_space<vmem_shared>>
        tpu.enqueue_indirect_dma source(%dma_start3A_74 : memref<10112x64xf32, #tpu.memory_space<vmem_shared>>) target(%arg8 : memref<128x64xf32, #tpu.memory_space<vmem>>) offsets(%dma_start3A_71 : memref<128xi32, #tpu.memory_space<vmem>>) semaphore(%arg12 : memref<!tpu.dma_semaphore, #tpu.memory_space<semaphore_mem>>)
      } else {
      }
      %mul3A_61 = arith.constant 128 : i32
      %mul3A_62 = arith.muli %add3A_47, %mul3A_61 : i32
      %dma_wait3A_63 = tpu.memref_slice %arg6[%mul3A_62] : memref<10240xi32, #tpu.memory_space<vmem>> -> memref<128xi32, #tpu.memory_space<vmem>>
      %dma_wait3A_64 = arith.constant 0 : i32
      %dma_wait3A_65 = arith.constant 0 : i32
      %dma_wait3A_66 = tpu.memref_slice %arg10[%dma_wait3A_64, %dma_wait3A_65] : memref<10112x64xf32, #tpu.memory_space<vmem_shared>> -> memref<10112x64xf32, #tpu.memory_space<vmem_shared>>
      tpu.wait_indirect_dma semaphore(%arg13 : memref<!tpu.dma_semaphore, #tpu.memory_space<semaphore_mem>>) src(%dma_wait3A_66 : memref<10112x64xf32, #tpu.memory_space<vmem_shared>>) dst(%arg9 : memref<128x64xf32, #tpu.memory_space<vmem>>)
      "tpu.region"() ({
        %run_scoped3A_67 = tpu.sem_alloc : memref<!tpu.dma_semaphore, #tpu.memory_space<semaphore_mem>>
        %dma_start3A_68 = arith.constant 0 : i32
        %dma_start3A_69 = tpu.memref_slice %arg7[%add3A_47, %dma_start3A_68] : memref<80x128xi32, #tpu.memory_space<vmem>> -> memref<1x128xi32, #tpu.memory_space<vmem>>
        %dma_start3A_70 = tpu.memref_squeeze %dma_start3A_69 : memref<1x128xi32, #tpu.memory_space<vmem>> -> memref<128xi32, #tpu.memory_space<vmem>>
        %dma_start3A_71 = arith.constant 0 : i32
        %dma_start3A_72 = arith.constant 0 : i32
        %dma_start3A_73 = tpu.memref_slice %arg11[%dma_start3A_71, %dma_start3A_72] : memref<10112x64xf32, #tpu.memory_space<vmem_shared>> -> memref<10112x64xf32, #tpu.memory_space<vmem_shared>>
        tpu.enqueue_indirect_dma source(%arg9 : memref<128x64xf32, #tpu.memory_space<vmem>>) target(%dma_start3A_73 : memref<10112x64xf32, #tpu.memory_space<vmem_shared>>) offsets(%dma_start3A_70 : memref<128xi32, #tpu.memory_space<vmem>>) semaphore(%run_scoped3A_67 : memref<!tpu.dma_semaphore, #tpu.memory_space<semaphore_mem>>) {add = true}
        %dma_wait3A_74 = arith.constant 0 : i32
        %dma_wait3A_75 = tpu.memref_slice %arg7[%add3A_47, %dma_wait3A_74] : memref<80x128xi32, #tpu.memory_space<vmem>> -> memref<1x128xi32, #tpu.memory_space<vmem>>
        %dma_wait3A_76 = tpu.memref_squeeze %dma_wait3A_75 : memref<1x128xi32, #tpu.memory_space<vmem>> -> memref<128xi32, #tpu.memory_space<vmem>>
        %dma_wait3A_77 = arith.constant 0 : i32
        %dma_wait3A_78 = arith.constant 0 : i32
        %dma_wait3A_79 = tpu.memref_slice %arg11[%dma_wait3A_77, %dma_wait3A_78] : memref<10112x64xf32, #tpu.memory_space<vmem_shared>> -> memref<10112x64xf32, #tpu.memory_space<vmem_shared>>
        tpu.wait_indirect_dma semaphore(%run_scoped3A_67 : memref<!tpu.dma_semaphore, #tpu.memory_space<semaphore_mem>>) src(%arg9 : memref<128x64xf32, #tpu.memory_space<vmem>>) dst(%dma_wait3A_79 : memref<10112x64xf32, #tpu.memory_space<vmem_shared>>)
        tpu.yield
      }) : () -> ()
    }
    %scan3A_26 = arith.constant 40 : i32
    %run_scoped3A_27 = arith.constant 1 : i32
    "tpu.region"() ({
      %run_scoped3A_41 = tpu.sem_alloc : memref<!tpu.dma_semaphore, #tpu.memory_space<semaphore_mem>>
      %dma_start3A_42 = arith.constant 0 : i32
      %dma_start3A_43 = tpu.memref_slice %arg3[%arg1, %run_scoped3A_27, %dma_start3A_42] : memref<16x2x10240xi32, #tpu.memory_space<hbm>> -> memref<1x1x10240xi32, #tpu.memory_space<hbm>>
      %dma_start3A_44 = tpu.memref_squeeze %dma_start3A_43 : memref<1x1x10240xi32, #tpu.memory_space<hbm>> -> memref<10240xi32, #tpu.memory_space<hbm>>
      %dma_start3A_45 = arith.constant 0 : i32
      %dma_start3A_46 = tpu.memref_slice %arg3[%arg1, %run_scoped3A_27, %dma_start3A_45] : memref<16x2x10240xi32, #tpu.memory_space<hbm>> -> memref<1x1x10240xi32, #tpu.memory_space<hbm>>
      %dma_start3A_47 = tpu.memref_squeeze %dma_start3A_46 : memref<1x1x10240xi32, #tpu.memory_space<hbm>> -> memref<10240xi32, #tpu.memory_space<hbm>>
      tpu.enqueue_dma source(%dma_start3A_47 : memref<10240xi32, #tpu.memory_space<hbm>>) target(%arg6 : memref<10240xi32, #tpu.memory_space<vmem>>) target_semaphore(%run_scoped3A_41 : memref<!tpu.dma_semaphore, #tpu.memory_space<semaphore_mem>>)
      %dma_wait3A = arith.constant 0 : i32
      %dma_wait3A_48 = tpu.memref_slice %arg3[%arg1, %run_scoped3A_27, %dma_wait3A] : memref<16x2x10240xi32, #tpu.memory_space<hbm>> -> memref<1x1x10240xi32, #tpu.memory_space<hbm>>
      %dma_wait3A_49 = tpu.memref_squeeze %dma_wait3A_48 : memref<1x1x10240xi32, #tpu.memory_space<hbm>> -> memref<10240xi32, #tpu.memory_space<hbm>>
      %dma_wait3A_50 = arith.constant 0 : i32
      %dma_wait3A_51 = tpu.memref_slice %arg3[%arg1, %run_scoped3A_27, %dma_wait3A_50] : memref<16x2x10240xi32, #tpu.memory_space<hbm>> -> memref<1x1x10240xi32, #tpu.memory_space<hbm>>
      %dma_wait3A_52 = tpu.memref_squeeze %dma_wait3A_51 : memref<1x1x10240xi32, #tpu.memory_space<hbm>> -> memref<10240xi32, #tpu.memory_space<hbm>>
      tpu.wait_dma2 semaphore(%run_scoped3A_41 : memref<!tpu.dma_semaphore, #tpu.memory_space<semaphore_mem>>) src(%dma_wait3A_52 : memref<10240xi32, #tpu.memory_space<hbm>>) dst(%arg6 : memref<10240xi32, #tpu.memory_space<vmem>>)
      tpu.yield
    }) : () -> ()
    %run_scoped3A_28 = arith.constant 1 : i32
    "tpu.region"() ({
      %run_scoped3A_41 = tpu.sem_alloc : memref<!tpu.dma_semaphore, #tpu.memory_space<semaphore_mem>>
      %dma_start3A_42 = arith.constant 0 : i32
      %dma_start3A_43 = arith.constant 0 : i32
      %dma_start3A_44 = tpu.memref_slice %arg4[%arg1, %run_scoped3A_28, %dma_start3A_42, %dma_start3A_43] : memref<16x2x80x128xi32, #tpu.memory_space<hbm>> -> memref<1x1x80x128xi32, #tpu.memory_space<hbm>>
      %dma_start3A_45 = tpu.memref_squeeze %dma_start3A_44 : memref<1x1x80x128xi32, #tpu.memory_space<hbm>> -> memref<80x128xi32, #tpu.memory_space<hbm>>
      %dma_start3A_46 = arith.constant 0 : i32
      %dma_start3A_47 = arith.constant 0 : i32
      %dma_start3A_48 = tpu.memref_slice %arg4[%arg1, %run_scoped3A_28, %dma_start3A_46, %dma_start3A_47] : memref<16x2x80x128xi32, #tpu.memory_space<hbm>> -> memref<1x1x80x128xi32, #tpu.memory_space<hbm>>
      %dma_start3A_49 = tpu.memref_squeeze %dma_start3A_48 : memref<1x1x80x128xi32, #tpu.memory_space<hbm>> -> memref<80x128xi32, #tpu.memory_space<hbm>>
      tpu.enqueue_dma source(%dma_start3A_49 : memref<80x128xi32, #tpu.memory_space<hbm>>) target(%arg7 : memref<80x128xi32, #tpu.memory_space<vmem>>) target_semaphore(%run_scoped3A_41 : memref<!tpu.dma_semaphore, #tpu.memory_space<semaphore_mem>>)
      %dma_wait3A = arith.constant 0 : i32
      %dma_wait3A_50 = arith.constant 0 : i32
      %dma_wait3A_51 = tpu.memref_slice %arg4[%arg1, %run_scoped3A_28, %dma_wait3A, %dma_wait3A_50] : memref<16x2x80x128xi32, #tpu.memory_space<hbm>> -> memref<1x1x80x128xi32, #tpu.memory_space<hbm>>
      %dma_wait3A_52 = tpu.memref_squeeze %dma_wait3A_51 : memref<1x1x80x128xi32, #tpu.memory_space<hbm>> -> memref<80x128xi32, #tpu.memory_space<hbm>>
      %dma_wait3A_53 = arith.constant 0 : i32
      %dma_wait3A_54 = arith.constant 0 : i32
      %dma_wait3A_55 = tpu.memref_slice %arg4[%arg1, %run_scoped3A_28, %dma_wait3A_53, %dma_wait3A_54] : memref<16x2x80x128xi32, #tpu.memory_space<hbm>> -> memref<1x1x80x128xi32, #tpu.memory_space<hbm>>
      %dma_wait3A_56 = tpu.memref_squeeze %dma_wait3A_55 : memref<1x1x80x128xi32, #tpu.memory_space<hbm>> -> memref<80x128xi32, #tpu.memory_space<hbm>>
      tpu.wait_dma2 semaphore(%run_scoped3A_41 : memref<!tpu.dma_semaphore, #tpu.memory_space<semaphore_mem>>) src(%dma_wait3A_56 : memref<80x128xi32, #tpu.memory_space<hbm>>) dst(%arg7 : memref<80x128xi32, #tpu.memory_space<vmem>>)
      tpu.yield
    }) : () -> ()
    %dma_start3A_29 = arith.constant 0 : i32
    %dma_start3A_30 = tpu.memref_slice %arg6[%dma_start3A_29] : memref<10240xi32, #tpu.memory_space<vmem>> -> memref<128xi32, #tpu.memory_space<vmem>>
    %dma_start3A_31 = arith.constant 0 : i32
    %dma_start3A_32 = arith.constant 0 : i32
    %dma_start3A_33 = tpu.memref_slice %arg10[%dma_start3A_31, %dma_start3A_32] : memref<10112x64xf32, #tpu.memory_space<vmem_shared>> -> memref<10112x64xf32, #tpu.memory_space<vmem_shared>>
    tpu.enqueue_indirect_dma source(%dma_start3A_33 : memref<10112x64xf32, #tpu.memory_space<vmem_shared>>) target(%arg8 : memref<128x64xf32, #tpu.memory_space<vmem>>) offsets(%dma_start3A_30 : memref<128xi32, #tpu.memory_space<vmem>>) semaphore(%arg12 : memref<!tpu.dma_semaphore, #tpu.memory_space<semaphore_mem>>)
    %scan3A_34 = arith.constant 0 : i32
    %scan3A_35 = arith.constant 0 : i32
    %scan3A_36 = arith.constant 40 : i32
    %scan3A_37 = arith.addi %scan3A_35, %scan3A_36 : i32
    %scan3A_38 = arith.constant 1 : i32
    scf.for %scan3A_41 = %scan3A_35 to %scan3A_37 step %scan3A_38  : i32 {
      %mul3A_42 = arith.constant 2 : i32
      %mul3A_43 = arith.muli %mul3A_42, %scan3A_41 : i32
      %mul3A_44 = arith.constant 2 : i32
      %mul3A_45 = arith.muli %mul3A_44, %scan3A_41 : i32
      %add3A_46 = arith.constant 1 : i32
      %add3A_47 = arith.addi %mul3A_45, %add3A_46 : i32
      %mul3A_48 = arith.constant 128 : i32
      %mul3A_49 = arith.muli %add3A_47, %mul3A_48 : i32
      %dma_start3A_50 = tpu.memref_slice %arg6[%mul3A_49] : memref<10240xi32, #tpu.memory_space<vmem>> -> memref<128xi32, #tpu.memory_space<vmem>>
      %dma_start3A_51 = arith.constant 0 : i32
      %dma_start3A_52 = arith.constant 0 : i32
      %dma_start3A_53 = tpu.memref_slice %arg10[%dma_start3A_51, %dma_start3A_52] : memref<10112x64xf32, #tpu.memory_space<vmem_shared>> -> memref<10112x64xf32, #tpu.memory_space<vmem_shared>>
      tpu.enqueue_indirect_dma source(%dma_start3A_53 : memref<10112x64xf32, #tpu.memory_space<vmem_shared>>) target(%arg9 : memref<128x64xf32, #tpu.memory_space<vmem>>) offsets(%dma_start3A_50 : memref<128xi32, #tpu.memory_space<vmem>>) semaphore(%arg13 : memref<!tpu.dma_semaphore, #tpu.memory_space<semaphore_mem>>)
      %mul3A_54 = arith.constant 128 : i32
      %mul3A_55 = arith.muli %mul3A_43, %mul3A_54 : i32
      %dma_wait3A = tpu.memref_slice %arg6[%mul3A_55] : memref<10240xi32, #tpu.memory_space<vmem>> -> memref<128xi32, #tpu.memory_space<vmem>>
      %dma_wait3A_56 = arith.constant 0 : i32
      %dma_wait3A_57 = arith.constant 0 : i32
      %dma_wait3A_58 = tpu.memref_slice %arg10[%dma_wait3A_56, %dma_wait3A_57] : memref<10112x64xf32, #tpu.memory_space<vmem_shared>> -> memref<10112x64xf32, #tpu.memory_space<vmem_shared>>
      tpu.wait_indirect_dma semaphore(%arg12 : memref<!tpu.dma_semaphore, #tpu.memory_space<semaphore_mem>>) src(%dma_wait3A_58 : memref<10112x64xf32, #tpu.memory_space<vmem_shared>>) dst(%arg8 : memref<128x64xf32, #tpu.memory_space<vmem>>)
      "tpu.region"() ({
        %run_scoped3A_67 = tpu.sem_alloc : memref<!tpu.dma_semaphore, #tpu.memory_space<semaphore_mem>>
        %dma_start3A_68 = arith.constant 0 : i32
        %dma_start3A_69 = tpu.memref_slice %arg7[%mul3A_43, %dma_start3A_68] : memref<80x128xi32, #tpu.memory_space<vmem>> -> memref<1x128xi32, #tpu.memory_space<vmem>>
        %dma_start3A_70 = tpu.memref_squeeze %dma_start3A_69 : memref<1x128xi32, #tpu.memory_space<vmem>> -> memref<128xi32, #tpu.memory_space<vmem>>
        %dma_start3A_71 = arith.constant 0 : i32
        %dma_start3A_72 = arith.constant 0 : i32
        %dma_start3A_73 = tpu.memref_slice %arg11[%dma_start3A_71, %dma_start3A_72] : memref<10112x64xf32, #tpu.memory_space<vmem_shared>> -> memref<10112x64xf32, #tpu.memory_space<vmem_shared>>
        tpu.enqueue_indirect_dma source(%arg8 : memref<128x64xf32, #tpu.memory_space<vmem>>) target(%dma_start3A_73 : memref<10112x64xf32, #tpu.memory_space<vmem_shared>>) offsets(%dma_start3A_70 : memref<128xi32, #tpu.memory_space<vmem>>) semaphore(%run_scoped3A_67 : memref<!tpu.dma_semaphore, #tpu.memory_space<semaphore_mem>>) {add = true}
        %dma_wait3A_74 = arith.constant 0 : i32
        %dma_wait3A_75 = tpu.memref_slice %arg7[%mul3A_43, %dma_wait3A_74] : memref<80x128xi32, #tpu.memory_space<vmem>> -> memref<1x128xi32, #tpu.memory_space<vmem>>
        %dma_wait3A_76 = tpu.memref_squeeze %dma_wait3A_75 : memref<1x128xi32, #tpu.memory_space<vmem>> -> memref<128xi32, #tpu.memory_space<vmem>>
        %dma_wait3A_77 = arith.constant 0 : i32
        %dma_wait3A_78 = arith.constant 0 : i32
        %dma_wait3A_79 = tpu.memref_slice %arg11[%dma_wait3A_77, %dma_wait3A_78] : memref<10112x64xf32, #tpu.memory_space<vmem_shared>> -> memref<10112x64xf32, #tpu.memory_space<vmem_shared>>
        tpu.wait_indirect_dma semaphore(%run_scoped3A_67 : memref<!tpu.dma_semaphore, #tpu.memory_space<semaphore_mem>>) src(%arg8 : memref<128x64xf32, #tpu.memory_space<vmem>>) dst(%dma_wait3A_79 : memref<10112x64xf32, #tpu.memory_space<vmem_shared>>)
        tpu.yield
      }) : () -> ()
      %lt3A = arith.constant 39 : i32
      %lt3A_59 = arith.cmpi slt, %scan3A_41, %lt3A : i32
      %convert_element_type3A = arith.extui %lt3A_59 : i1 to i32
      %cond3A = arith.constant 0 : i32
      %cond3A_60 = arith.cmpi ne, %convert_element_type3A, %cond3A : i32
      scf.if %cond3A_60 {
        %add3A_67 = arith.constant 2 : i32
        %add3A_68 = arith.addi %mul3A_43, %add3A_67 : i32
        %mul3A_69 = arith.constant 128 : i32
        %mul3A_70 = arith.muli %add3A_68, %mul3A_69 : i32
        %dma_start3A_71 = tpu.memref_slice %arg6[%mul3A_70] : memref<10240xi32, #tpu.memory_space<vmem>> -> memref<128xi32, #tpu.memory_space<vmem>>
        %dma_start3A_72 = arith.constant 0 : i32
        %dma_start3A_73 = arith.constant 0 : i32
        %dma_start3A_74 = tpu.memref_slice %arg10[%dma_start3A_72, %dma_start3A_73] : memref<10112x64xf32, #tpu.memory_space<vmem_shared>> -> memref<10112x64xf32, #tpu.memory_space<vmem_shared>>
        tpu.enqueue_indirect_dma source(%dma_start3A_74 : memref<10112x64xf32, #tpu.memory_space<vmem_shared>>) target(%arg8 : memref<128x64xf32, #tpu.memory_space<vmem>>) offsets(%dma_start3A_71 : memref<128xi32, #tpu.memory_space<vmem>>) semaphore(%arg12 : memref<!tpu.dma_semaphore, #tpu.memory_space<semaphore_mem>>)
      } else {
      }
      %mul3A_61 = arith.constant 128 : i32
      %mul3A_62 = arith.muli %add3A_47, %mul3A_61 : i32
      %dma_wait3A_63 = tpu.memref_slice %arg6[%mul3A_62] : memref<10240xi32, #tpu.memory_space<vmem>> -> memref<128xi32, #tpu.memory_space<vmem>>
      %dma_wait3A_64 = arith.constant 0 : i32
      %dma_wait3A_65 = arith.constant 0 : i32
      %dma_wait3A_66 = tpu.memref_slice %arg10[%dma_wait3A_64, %dma_wait3A_65] : memref<10112x64xf32, #tpu.memory_space<vmem_shared>> -> memref<10112x64xf32, #tpu.memory_space<vmem_shared>>
      tpu.wait_indirect_dma semaphore(%arg13 : memref<!tpu.dma_semaphore, #tpu.memory_space<semaphore_mem>>) src(%dma_wait3A_66 : memref<10112x64xf32, #tpu.memory_space<vmem_shared>>) dst(%arg9 : memref<128x64xf32, #tpu.memory_space<vmem>>)
      "tpu.region"() ({
        %run_scoped3A_67 = tpu.sem_alloc : memref<!tpu.dma_semaphore, #tpu.memory_space<semaphore_mem>>
        %dma_start3A_68 = arith.constant 0 : i32
        %dma_start3A_69 = tpu.memref_slice %arg7[%add3A_47, %dma_start3A_68] : memref<80x128xi32, #tpu.memory_space<vmem>> -> memref<1x128xi32, #tpu.memory_space<vmem>>
        %dma_start3A_70 = tpu.memref_squeeze %dma_start3A_69 : memref<1x128xi32, #tpu.memory_space<vmem>> -> memref<128xi32, #tpu.memory_space<vmem>>
        %dma_start3A_71 = arith.constant 0 : i32
        %dma_start3A_72 = arith.constant 0 : i32
        %dma_start3A_73 = tpu.memref_slice %arg11[%dma_start3A_71, %dma_start3A_72] : memref<10112x64xf32, #tpu.memory_space<vmem_shared>> -> memref<10112x64xf32, #tpu.memory_space<vmem_shared>>
        tpu.enqueue_indirect_dma source(%arg9 : memref<128x64xf32, #tpu.memory_space<vmem>>) target(%dma_start3A_73 : memref<10112x64xf32, #tpu.memory_space<vmem_shared>>) offsets(%dma_start3A_70 : memref<128xi32, #tpu.memory_space<vmem>>) semaphore(%run_scoped3A_67 : memref<!tpu.dma_semaphore, #tpu.memory_space<semaphore_mem>>) {add = true}
        %dma_wait3A_74 = arith.constant 0 : i32
        %dma_wait3A_75 = tpu.memref_slice %arg7[%add3A_47, %dma_wait3A_74] : memref<80x128xi32, #tpu.memory_space<vmem>> -> memref<1x128xi32, #tpu.memory_space<vmem>>
        %dma_wait3A_76 = tpu.memref_squeeze %dma_wait3A_75 : memref<1x128xi32, #tpu.memory_space<vmem>> -> memref<128xi32, #tpu.memory_space<vmem>>
        %dma_wait3A_77 = arith.constant 0 : i32
        %dma_wait3A_78 = arith.constant 0 : i32
        %dma_wait3A_79 = tpu.memref_slice %arg11[%dma_wait3A_77, %dma_wait3A_78] : memref<10112x64xf32, #tpu.memory_space<vmem_shared>> -> memref<10112x64xf32, #tpu.memory_space<vmem_shared>>
        tpu.wait_indirect_dma semaphore(%run_scoped3A_67 : memref<!tpu.dma_semaphore, #tpu.memory_space<semaphore_mem>>) src(%arg9 : memref<128x64xf32, #tpu.memory_space<vmem>>) dst(%dma_wait3A_79 : memref<10112x64xf32, #tpu.memory_space<vmem_shared>>)
        tpu.yield
      }) : () -> ()
    }
    %scan3A_39 = arith.constant 40 : i32
    %barrier3A_40 = arith.constant 0 : index
    tpu.barrier barrier_id(%barrier3A_40)
    "tpu.region"() ({
      %run_scoped3A_41 = tpu.sem_alloc : memref<!tpu.dma_semaphore, #tpu.memory_space<semaphore_mem>>
      %dma_start3A_42 = arith.constant 0 : i32
      %dma_start3A_43 = tpu.memref_slice %arg5[%arg0, %mul3A_0, %dma_start3A_42] : memref<2x10112x64xf32, #tpu.memory_space<hbm>> -> memref<1x632x64xf32, #tpu.memory_space<hbm>>
      %dma_start3A_44 = tpu.memref_squeeze %dma_start3A_43 : memref<1x632x64xf32, #tpu.memory_space<hbm>> -> memref<632x64xf32, #tpu.memory_space<hbm>>
      %dma_start3A_45 = arith.constant 0 : i32
      %dma_start3A_46 = tpu.memref_slice %arg11[%mul3A_0, %dma_start3A_45] : memref<10112x64xf32, #tpu.memory_space<vmem_shared>> -> memref<632x64xf32, #tpu.memory_space<vmem_shared>>
      tpu.enqueue_dma source(%dma_start3A_46 : memref<632x64xf32, #tpu.memory_space<vmem_shared>>) target(%dma_start3A_44 : memref<632x64xf32, #tpu.memory_space<hbm>>) target_semaphore(%run_scoped3A_41 : memref<!tpu.dma_semaphore, #tpu.memory_space<semaphore_mem>>)
      %dma_wait3A = arith.constant 0 : i32
      %dma_wait3A_47 = tpu.memref_slice %arg5[%arg0, %mul3A_0, %dma_wait3A] : memref<2x10112x64xf32, #tpu.memory_space<hbm>> -> memref<1x632x64xf32, #tpu.memory_space<hbm>>
      %dma_wait3A_48 = tpu.memref_squeeze %dma_wait3A_47 : memref<1x632x64xf32, #tpu.memory_space<hbm>> -> memref<632x64xf32, #tpu.memory_space<hbm>>
      %dma_wait3A_49 = arith.constant 0 : i32
      %dma_wait3A_50 = tpu.memref_slice %arg11[%mul3A_0, %dma_wait3A_49] : memref<10112x64xf32, #tpu.memory_space<vmem_shared>> -> memref<632x64xf32, #tpu.memory_space<vmem_shared>>
      tpu.wait_dma2 semaphore(%run_scoped3A_41 : memref<!tpu.dma_semaphore, #tpu.memory_space<semaphore_mem>>) src(%dma_wait3A_50 : memref<632x64xf32, #tpu.memory_space<vmem_shared>>) dst(%dma_wait3A_48 : memref<632x64xf32, #tpu.memory_space<hbm>>)
      tpu.yield
    }) : () -> ()
    return
  }
}

</mosaic_0001>

<sc_bundles>
// kernel: _sc_agg.3.cloned.1.call-start
scs
__scs_entry_jumppad:
0x0: {  	(pc) =	sbr.rel $0x88, $3  }
0x1: {  	(tag) =	ssettag $0x0;
	lr =	simm.s32 $0x1  }
0x2: {  	[smem:$0x3F9E] =	sst lr;
	_ =	strace $0xD0000000  }
0x3: {  	_ = 	snop  }
0x4: {  	_ = 	snop  }
0x5: {  	_ = 	snop  }
0x6: {  	_ = 	snop  }
0x7: {  	_ = 	snop  }
__scs_overlays_trampoline_lowered:
0x8: {  	[smem:$0x3FAD] =	sst s0  }
0x9: {  	[smem:$0x3FAE] =	sst s1  }
0xa: {  	[smem:$0x3FAF] =	sst s2  }
0xb: {  	[smem:$0x3FB0] =	sst s3  }
0xc: {  	[smem:$0x3FB1] =	sst s4  }
0xd: {  	[smem:$0x3FB2] =	sst s5  }
0xe: {  	[smem:$0x3FB3] =	sst s6  }
0xf: {  	[smem:$0x3FB4] =	sst s7  }
0x10: {  	[smem:$0x3FB5] =	sst s8  }
0x11: {  	[smem:$0x3FB6] =	sst s9;
	s0 =	simm.s32 @!p0 $0x0  }
0x12: {  	s1 =	sld [smem:$0x3F9C];
	s0 =	simm.s32 @p0 $0x1  }
0x13: {  	[smem:$0x3FB7] =	sst s0;
	s0 =	simm.s32 @!p1 $0x0  }
0x14: {  	s2 =	sld [smem:$0x3F9B];
	s0 =	simm.s32 @p1 $0x1  }
0x15: {  	[smem:$0x3FB8] =	sst s0;
	s0 =	simm.s32 @!p2 $0x0  }
0x16: {  	s3 =	sld [smem:$0x3FDB];
	s0 =	simm.s32 @p2 $0x1  }
0x17: {  	s4 =	simm.s32 $0x1BF5;
	[smem:$0x3FBA] =	sst s0  }
0x18: {  	s0 =	sld [smem:$0x3F9D];
	_ =	swait.ge [sflag:s4], $0x0  }
0x19: {  	s7 =	sld [smem:$0x3F9E]  }
0x1a: {  	s8 =	sadd.s32 $0xFFFFE003, lr  }
0x1b: {  	s9 =	sadd.s32 $0xFFFFFEF7, lr;
	s5 =	simm.s32 $0xFFFFFFFF;
	p2 =	slt.u32 s8, $0xFFFFF086  }
0x1c: {  	p1 =	slt.u32 s9, $0xF7A;
	s5 =	simm.s32 @!p2 $0x0  }
0x1d: {  	s5 =	simm.s32 @p1 $0x1;
	p0 =	seq.s32 s7, s2  }
0x1e: {  	s7 =	smul.u32 @!p0 $0xF7A, s2;
	p2 =	seq.s32 @!p0 s5, $0x0  }
0x1f: {  	s9 =	smul.u32 $0xF7A, s1;
	s8 =	simm.s32 @!p0 $0x1BF5;
	p2 =	por !p2, p0  }
0x20: {  	[sflag:s8] =	ssyncset.s32 @!p0 $0xFFFFF086;
	s6 =	sadd.s32 @!p0 s3, s7;
	s7 =	simm.s32 @!p0 $0x108  }
0x21: {  	s3 =	sadd.s32 s3, s9;
	s6 =	sadd.s32 @!p0 $0x88, s6;
	s7 =	simm.s32 @p2 $0x1082  }
0x22: {  	[simem:s7], [sflag:s8] =	dma.local @!p0 [hbm:s6], $0xF7A  }
0x23: {  	s9 =	sor.u32 $0xD0000000, s2;
	s6 =	simm.s32 $0x108;
	_ =	swait.ge @!p0 [sflag:s8], $0x0  }
0x24: {  	s3 =	sadd.s32 $0x88, s3;
	s6 =	simm.s32 @!p1 $0x1082;
	[sflag:s4] =	ssyncset.s32 $0xFFFFF086  }
0x25: {  	[simem:s6], [sflag:s4] =	dma.local [hbm:s3], $0xF7A  }
0x26: {  	[smem:$0x3F9E] =	sst s1;
	(tag) =	ssettag s2;
	_ =	strace s9  }
0x27: {  	s1 =	sld [smem:$0x3FAE]  }
0x28: {  	s2 =	sld [smem:$0x3FAF]  }
0x29: {  	s4 =	sld [smem:$0x3FB1]  }
0x2a: {  	p0 =	seq.s32 s5, $0x0;
	s5 =	sld [smem:$0x3FB2]  }
0x2b: {  	s6 =	sld [smem:$0x3FB3]  }
0x2c: {  	s7 =	sld [smem:$0x3FB4]  }
0x2d: {  	s3 =	simm.s32 $0x108;
	s8 =	sld [smem:$0x3FB5]  }
0x2e: {  	s3 =	simm.s32 @!p0 $0x1082;
	s9 =	sld [smem:$0x3FB6]  }
0x2f: {  	lr =	sadd.s32 s0, s3;
	s0 =	sld [smem:$0x3FAD]  }
0x30: {  	s3 =	sld [smem:$0x3FB0]  }
0x31: {  	[smem:$0x3FB9] =	sst s10  }
0x32: {  	s10 =	sld [smem:$0x3FB7];
	_ =	sdelay $0x3  }
0x33: {  	p0 =	seq.s32 s10, $0x1;
	s10 =	sld [smem:$0x3FB9];
	_ =	sdelay $0x3  }
0x34: {  	[smem:$0x3FB9] =	sst s10  }
0x35: {  	s10 =	sld [smem:$0x3FB8];
	_ =	sdelay $0x3  }
0x36: {  	p1 =	seq.s32 s10, $0x1;
	s10 =	sld [smem:$0x3FB9];
	_ =	sdelay $0x3  }
0x37: {  	[smem:$0x3FB9] =	sst s10  }
0x38: {  	s10 =	sld [smem:$0x3FBA]  }
0x39: {  	_ = 	snop;
	(pc) =	sbr.ind lr, $3  }
0x3a: {  	_ = 	snop  }
0x3b: {  	_ = 	snop  }
0x3c: {  	p2 =	seq.s32 s10, $0x1;
	s10 =	sld [smem:$0x3FB9]  }
0x3d: {  	_ =	shalt  }
0x3e: {  	_ =	shalt  }
0x3f: {  	_ =	shalt  }
0x40: {  	_ =	shalt  }
0x41: {  	_ =	shalt  }
0x42: {  	_ =	shalt  }
0x43: {  	_ =	shalt  }
0x44: {  	_ =	shalt  }
0x45: {  	_ =	shalt  }
0x46: {  	_ =	shalt  }
0x47: {  	_ =	shalt  }
0x48: {  	_ =	shalt  }
0x49: {  	_ =	shalt  }
0x4a: {  	_ =	shalt  }
0x4b: {  	_ =	shalt  }
0x4c: {  	_ =	shalt  }
0x4d: {  	_ =	shalt  }
0x4e: {  	_ =	shalt  }
0x4f: {  	_ =	shalt  }
0x50: {  	_ =	shalt  }
0x51: {  	_ =	shalt  }
0x52: {  	_ =	shalt  }
0x53: {  	_ =	shalt  }
0x54: {  	_ =	shalt  }
0x55: {  	_ =	shalt  }
0x56: {  	_ =	shalt  }
0x57: {  	_ =	shalt  }
0x58: {  	_ =	shalt  }
0x59: {  	_ =	shalt  }
0x5a: {  	_ =	shalt  }
0x5b: {  	_ =	shalt  }
0x5c: {  	_ =	shalt  }
0x5d: {  	_ =	shalt  }
0x5e: {  	_ =	shalt  }
0x5f: {  	_ =	shalt  }
0x60: {  	_ =	shalt  }
0x61: {  	_ =	shalt  }
0x62: {  	_ =	shalt  }
0x63: {  	_ =	shalt  }
0x64: {  	_ =	shalt  }
0x65: {  	_ =	shalt  }
0x66: {  	_ =	shalt  }
0x67: {  	_ =	shalt  }
0x68: {  	_ =	shalt  }
0x69: {  	_ =	shalt  }
0x6a: {  	_ =	shalt  }
0x6b: {  	_ =	shalt  }
0x6c: {  	_ =	shalt  }
0x6d: {  	_ =	shalt  }
0x6e: {  	_ =	shalt  }
0x6f: {  	_ =	shalt  }
0x70: {  	_ =	shalt  }
0x71: {  	_ =	shalt  }
0x72: {  	_ =	shalt  }
0x73: {  	_ =	shalt  }
0x74: {  	_ =	shalt  }
0x75: {  	_ =	shalt  }
0x76: {  	_ =	shalt  }
0x77: {  	_ =	shalt  }
0x78: {  	_ =	shalt  }
0x79: {  	_ =	shalt  }
0x7a: {  	_ =	shalt  }
0x7b: {  	_ =	shalt  }
0x7c: {  	_ =	shalt  }
0x7d: {  	_ =	shalt  }
0x7e: {  	_ =	shalt  }
0x7f: {  	_ =	shalt  }
0x80: {  	_ =	shalt  }
0x81: {  	_ =	shalt  }
0x82: {  	_ =	shalt  }
0x83: {  	_ =	shalt  }
0x84: {  	_ =	shalt  }
0x85: {  	_ =	shalt  }
0x86: {  	_ =	shalt  }
0x87: {  	_ =	shalt  }
.Lfunc_end0:
.L_simem_size_0:
called_computation_lowered:
.L_overlay_start_0:
0x88: {  	s2 =	sld [smem:$0x3FD9]  }
0x89: {  	s3 =	sld [smem:$0x3FFE];
	_ =	sdelay $0x1  }
0x8a: {  	s1 =	srdreg.scid  }
0x8b: {  	s0 =	sand.u32 $0x1, s1  }
0x8c: {  	s17 =	sshll.u32 s0, $0xA;
	s2 =	sadd.s32 s3, s2  }
0x8d: {  	s2 =	sadd.s32 s2, s17  }
0x8e: {  	[smem:$0x3FC5] =	sst s2  }
0x8f: {  	_ = 	snop  }
0x90: {  	s2 =	sld [smem:$0x3FC7]  }
0x91: {  	s18 =	sld [smem:$0x3FD0];
	(tm) =	ssettm $0x1  }
0x92: {  	s4 =	sld [smem:$0x3FFB];
	_ =	sdelay $0x3  }
0x93: {  	_ =	strace s4  }
0x94: {  	s4 =	sld [smem:$0x3FFC];
	_ =	sdelay $0x3  }
0x95: {  	_ =	strace s4  }
0x96: {  	s4 =	sld [smem:$0x3FFD];
	_ =	sdelay $0x3  }
0x97: {  	_ =	strace s4  }
0x98: {  	_ =	strace $0x8FFFFFFF  }
0x99: {  	s19 =	sld [smem:$0x3FDB];
	_ =	sdelay $0x1  }
0x9a: {  	s5 =	simm.s32 $_scs_section_size  }
0x9b: {  	s6 =	simm.s32 $_size__tile_overlayer_lowered;
	s7 =	simm.s32 $_tile_overlayer_lowered  }
0x9c: {  	s22 =	simm.s32 $0x1BFF;
	s21 =	sshll.u32 s7, $0x1;
	s4 =	sadd.s32 s5, s19  }
0x9d: {  	s8 =	simm.s32 $0x0;
	s20 =	sshll.u32 s6, $0x1;
	s6 =	sadd.s32 s21, s4  }
0x9e: {  	[timem:s8], [sflag:s22] =	dma.local [hbm:s6], s20  }
0x9f: {  	_ =	swait.ge [sflag:s22], s20  }
0xa0: {  	s5 =	ssub.s32 $0x0, s20;
	[sflag:s22] =	ssyncset.done $0x0  }
0xa1: {  	[sflag:s22] =	ssyncadd.s32 s5;
	_ =	sdelay $0x1  }
0xa2: {  	s23 =	simm.s32 $0x1B8B  }
0xa3: {  	_ =	swait.ge [sflag:s23], $0x1  }
0xa4: {  	[sflag:s23] =	ssyncset.done $0x0  }
0xa5: {  	s25 =	simm.s32 $0x1B8E;
	s24 =	sld [smem:$0x3FFE];
	[sflag:s23] =	ssyncadd.s32 $0xFFFFFFFF  }
0xa6: {  	s26 =	simm.s32 $execute0_lowered;
	[smem:$0x3FD2] =	sst s25  }
0xa7: {  	s6 =	sshll.u32 s26, $0x1;
	_ =	strace $0x80000046;
	[dreg:$0x1] =	wrdreg $0xFFFFFFFF  }
0xa8: {  	s28 =	simm.s32 $_size_execute0_lowered;
	s4 =	sadd.s32 s4, s6;
	[dreg:$0x0] =	wrdreg $0x0  }
0xa9: {  	s6 =	sshll.u32 s28, $0x1;
	[dreg:$0x2] =	wrdreg s4  }
0xaa: {  	[dreg:$0x3] =	wrdreg s6  }
0xab: {  	[dreg:$0x4] =	wrdreg $0xC0  }
0xac: {  	_ =	task [dreg:s8], $0x5FFFF  }
0xad: {  	[dreg:$0x1] =	wrdreg $0xFFFFFFFF  }
0xae: {  	[dreg:$0x0] =	wrdreg $0x60  }
0xaf: {  	[dreg:$0x2] =	wrdreg s18  }
0xb0: {  	[dreg:$0x3] =	wrdreg s24  }
0xb1: {  	[dreg:$0x4] =	wrdreg s2  }
0xb2: {  	[dreg:$0x5] =	wrdreg $0x90000  }
0xb3: {  	[dreg:$0x6] =	wrdreg $0x12E000  }
0xb4: {  	[dreg:$0x7] =	wrdreg $0x9  }
0xb5: {  	_ =	task.clear_ibuf [dreg:s8], $0x8FFFF;
	_ =	strace $0x90000046  }
0xb6: {  	s29 =	simm.s32 $0x9;
	_ =	strace $0x80000048  }
0xb7: {  	_ =	swait.ge [sflag:s29], $0x1  }
0xb8: {  	[sflag:s29] =	ssyncadd.s32 $0xFFFFFFFF  }
0xb9: {  	_ =	strace $0x90000048  }
0xba: {  	_ =	sfence  }
0xbb: {  	s30 =	sld [smem:$0x0];
	_ =	sdelay $0x2  }
0xbc: {  	s31 =	sshll.u32 s1, $0xD;
	s1 =	sshrl.u32 s1, $0x2  }
0xbd: {  	s3 =	sand.u32 $0x4000, s31;
	s1 =	sadd.s32 s1, s30  }
0xbe: {  	s0 =	sor.u32 s3, s0;
	s1 =	sshll.u32 s1, $0x11  }
0xbf: {  	s0 =	sor.u32 s1, s0  }
0xc0: {  	s0 =	sadd.s32 $0x8F2B, s0  }
0xc1: {  	[sflag:s0] =	ssyncadd.remote.s32 $0x1  }
0xc2: {  	_ =	sfence.sel $0xFFFF  }
0xc3: {  	[dreg:$0x0] =	wrdreg $0xFFFFFFFF;
	(pc) =	sbr.abs _section_cstart, $3  }
0xc4: {  	[dreg:$0x1] =	wrdreg $0xFFFFFFFF  }
0xc5: {  	_ =	task.clear_ibuf [dreg:s8], $0x2FFFF;
	_ =	strace $0x9FFFFFFF  }
0xc6: {  	(tm) =	ssettm $0x7FFFFFFF  }
0xc7: {  	_ =	shalt  }
tec
execute0_lowered:
.L_overlay_start_1:
0x0: {  	(tag) =	ssettag $0x1  }
0x1: {  	s5 =	rddreg [dreg:$0x0]  }
0x2: {  	s6 =	rddreg [dreg:$0x1]  }
0x3: {  	s15 =	rddreg [dreg:$0x2]  }
0x4: {  	s2 =	rddreg [dreg:$0x3]  }
0x5: {  	s3 =	rddreg [dreg:$0x4]  }
0x6: {  	s7 =	srdreg.scid;
	s0 =	stileid.u32;
	s4 =	simm.s32 $0x0  }
0x7: {  	s20 =	simm.s32 $0x5000;
	s21 =	simm.s32 $0x2800;
	s22 =	simm.s32 $0x80  }
0x8: {  	s23 =	simm.s32 $0x7000;
	s24 =	simm.s32 $0x1;
	s25 =	simm.s32 $0x2  }
0x9: {  	s26 =	simm.s32 $0x2780;
	s28 =	simm.s32 $0x4F00;
	s8 =	smul.u32 $0x9E00, s0  }
0xa: {  	s29 =	simm.s32 $0x4F80;
	s7 =	sand.u32 $0x1, s7;
	s11 =	smul.u32 $0x27800, s0  }
0xb: {  	[smem:$0x7FF] =	sst s4;
	s14 =	sadd.s32 $0x600, s6;
	s12 =	smul.u32 $0x5000, s0  }
0xc: {  	s30 =	sshll.u32 s0, $0x6;
	s9 =	smul.u32 $0x9E000, s7;
	s7 =	ssub.s32 $0x2, s7  }
0xd: {  	_ =	strace $0x80000047;
	s10 =	sshrl.u32 s7, $0x1;
	s18 =	sadd.s32 s8, s2  }
0xe: {  	s31 =	sshrl.u32 s11, $0x2;
	s19 =	sshrl.u32 s12, $0x3;
	s9 =	sadd.s32 s8, s9  }
0xf: {  	s17 =	ssub.s32 s7, s10;
	s11 =	sadd.s32 s31, s3;
	s7 =	sadd.s32 s8, s3  }
0x10: {  	s12 =	sadd.s32 s14, s19;
	s13 =	sadd.s32 s15, s19;
	s19 =	sadd.s32 $0x500, s19  }
0x11: {  	s18 =	sshrl.u32 s18, $0x3;
	s9 =	sshrl.u32 s9, $0x3;
	s8 =	sadd.s32 $0x2000, s11  }
0x12: {  	s10 =	sadd.s32 $0x6000, s11;
	s14 =	sadd.s32 s14, s19;
	s15 =	sadd.s32 s15, s19  }
0x13: {  	s17 =	smax.u32 s17, $0x1;
	s19 =	simm.s32 $0x3;
	s16 =	sadd.s32 s9, s6  }
0x14: {  	s1 =	sadd.s32 s5, s9;
	s6 =	sor.u32 $0x1C03, s30;
	s9 =	sadd.s32 $0x4000, s11  }
0x15: {  	v0 =	vimm.f32 $0.0e+00;
	s11 =	sadd.s32 $0x8000, s11;
	[dreg:$0x6] =	wrdreg s1;
	s16 =	sadd.s32 $0xA600, s16  }
.LBB2_1:
0x16: {  	s0 =	rddreg [dreg:$0x6]  }
0x17: {  	[spmem:s18], [sflag:s6] =	dma.local [hbm:s0], $0x13C0  }
0x18: {  	_ =	swait.ge [sflag:s19], $0x13C0  }
0x19: {  	[sflag:s19] =	ssyncset.done $0x0  }
0x1a: {  	s31 =	simm.s32 $0x100;
	s30 =	simm.s32 $0x0;
	[sflag:s19] =	ssyncadd.s32 $0xFFFFEC40  }
.LBB2_2:
0x1b: {  	p0 =	sne.s32 s31, $0x7F00;
	[tilespmem:s30+$0x5030] =	vst v0;
	s0 =	smov.u32 s31;
	s31 =	sadd.s32 $0x100, s31  }
.Ltmp0:
0x1c: {  	[tilespmem:s30+$0x5020] =	vst v0;
	(pc) =	sbr.rel @p0 .LBB2_2-.Ltmp0, $3  }
0x1d: {  	[tilespmem:s30+$0x5000] =	vst v0  }
0x1e: {  	[tilespmem:s30+$0x5010] =	vst v0;
	_ =	sdelay $0x1  }
0x1f: {  	s30 =	sshra.s32 s0, $0x2  }
0x20: {  	[tilespmem:s30+$0x5030] =	vst v0  }
0x21: {  	[tilespmem:s30+$0x5020] =	vst v0  }
0x22: {  	[tilespmem:s30+$0x5000] =	vst v0  }
0x23: {  	[tilespmem:s30+$0x5010] =	vst v0  }
0x24: {  	[spmem:s7] =	stream.linear.scatter [tilespmem:s20], [sflag:$0x3], $0x2000, $0x38;
	[tilespmem:$0x1CC00] =	vst v63  }
0x25: {  	_ =	swait.ge [sflag:s19], $0x2000  }
0x26: {  	[sflag:s19] =	ssyncset.done $0x0  }
0x27: {  	[sflag:s19] =	ssyncadd.s32 $0xFFFFE000  }
0x28: {  	[spmem:s8] =	stream.linear.scatter [tilespmem:s20], [sflag:$0x3], $0x2000, $0x38;
	[tilespmem:$0x1CC00] =	vst v63  }
0x29: {  	_ =	swait.ge [sflag:s19], $0x2000  }
0x2a: {  	[sflag:s19] =	ssyncset.done $0x0  }
0x2b: {  	[sflag:s19] =	ssyncadd.s32 $0xFFFFE000  }
0x2c: {  	[spmem:s9] =	stream.linear.scatter [tilespmem:s20], [sflag:$0x3], $0x2000, $0x38;
	[tilespmem:$0x1CC00] =	vst v63  }
0x2d: {  	_ =	swait.ge [sflag:s19], $0x2000  }
0x2e: {  	[sflag:s19] =	ssyncset.done $0x0  }
0x2f: {  	[sflag:s19] =	ssyncadd.s32 $0xFFFFE000  }
0x30: {  	[spmem:s10] =	stream.linear.scatter [tilespmem:s20], [sflag:$0x3], $0x2000, $0x38;
	[tilespmem:$0x1CC00] =	vst v63  }
0x31: {  	_ =	swait.ge [sflag:s19], $0x2000  }
0x32: {  	[sflag:s19] =	ssyncset.done $0x0  }
0x33: {  	[sflag:s19] =	ssyncadd.s32 $0xFFFFE000  }
0x34: {  	[spmem:s11] =	stream.linear.scatter [tilespmem:s20], [sflag:$0x3], $0x1E00, $0x38;
	[tilespmem:$0x1CC00] =	vst v63  }
0x35: {  	_ =	swait.ge [sflag:s19], $0x1E00  }
0x36: {  	[sflag:s19] =	ssyncset.done $0x0  }
0x37: {  	[sflag:s19] =	ssyncadd.s32 $0xFFFFE200  }
0x38: {  	s0 =	simm.s32 $0x0;
	[bflag:$0x0] =	sbarrier.arrive $0xFFFF  }
0x39: {  	[tilespmem:s0], [sflag:$0x3] =	stream.linear.gather [hbm4b:s12+s0], $0x2800, $0x38;
	[tilespmem:$0x1CC00] =	vst v63  }
0x3a: {  	_ =	swait.ge [sflag:s19], $0x2800  }
0x3b: {  	[sflag:s19] =	ssyncset.done $0x0  }
0x3c: {  	[sflag:s19] =	ssyncadd.s32 $0xFFFFD800  }
0x3d: {  	[tilespmem:s21], [sflag:$0x3] =	stream.linear.gather [hbm4b:s13+s0], $0x2800, $0x38;
	[tilespmem:$0x1CC00] =	vst v63  }
0x3e: {  	_ =	swait.ge [sflag:s19], $0x2800  }
0x3f: {  	[sflag:s19] =	ssyncset.done $0x0  }
0x40: {  	[sflag:s19] =	ssyncadd.s32 $0xFFFFD800  }
0x41: {  	[tilespmem:s20], [sflag:$0x1] =	stream.indirect.gather [spmem:s2], $0x40, s0, s22, $0xb8;
	[tilespmem:$0x1CC00] =	vst v63  }
0x42: {  	s1 =	simm.s32 $0x80  }
0x43: {  	[tilespmem:s23], [sflag:$0x2] =	stream.indirect.gather [spmem:s2], $0x40, s1, s22, $0xb8;
	[tilespmem:$0x1CC00] =	vst v63  }
0x44: {  	_ =	swait.ge [sflag:s24], $0x2000  }
0x45: {  	[sflag:s24] =	ssyncset.done $0x0  }
0x46: {  	s5 =	simm.s32 $0x2800;
	[sflag:s24] =	ssyncadd.s32 $0xFFFFE000  }
0x47: {  	[spmem:s3] =	stream.indirect.scatter.add.f32 [tilespmem:s20], [sflag:$0x3], $0x40, s5, s22, $0xb8;
	[tilespmem:$0x1CC00] =	vst v63  }
0x48: {  	_ =	swait.ge [sflag:s19], $0x2000  }
0x49: {  	[sflag:s19] =	ssyncset.done $0x0  }
0x4a: {  	s1 =	simm.s32 $0x100;
	[sflag:s19] =	ssyncadd.s32 $0xFFFFE000  }
0x4b: {  	[tilespmem:s20], [sflag:$0x1] =	stream.indirect.gather [spmem:s2], $0x40, s1, s22, $0xb8;
	[tilespmem:$0x1CC00] =	vst v63  }
0x4c: {  	_ =	swait.ge [sflag:s25], $0x2000  }
0x4d: {  	[sflag:s25] =	ssyncset.done $0x0  }
0x4e: {  	s5 =	simm.s32 $0x2880;
	[sflag:s25] =	ssyncadd.s32 $0xFFFFE000  }
0x4f: {  	[spmem:s3] =	stream.indirect.scatter.add.f32 [tilespmem:s23], [sflag:$0x3], $0x40, s5, s22, $0xb8;
	[tilespmem:$0x1CC00] =	vst v63  }
0x50: {  	_ =	swait.ge [sflag:s19], $0x2000  }
0x51: {  	s31 =	simm.s32 $0x800;
	s30 =	simm.s32 $0x100;
	[sflag:s19] =	ssyncset.done $0x0  }
.LBB2_4:
0x52: {  	s0 =	sadd.s32 $0x80, s30  }
0x53: {  	[sflag:s19] =	ssyncadd.s32 $0xFFFFE000;
	s1 =	smov.u32 s31;
	s5 =	sadd.s32 $0x400, s31  }
0x54: {  	[tilespmem:s23], [sflag:$0x2] =	stream.indirect.gather [spmem:s2], $0x40, s0, s22, $0xb8;
	[tilespmem:$0x1CC00] =	vst v63  }
0x55: {  	p0 =	sne.s32 s31, $0x9800;
	_ =	swait.ge [sflag:s24], $0x2000  }
0x56: {  	[sflag:s24] =	ssyncset.done $0x0  }
0x57: {  	s0 =	sadd.s32 $0x2800, s30;
	[sflag:s24] =	ssyncadd.s32 $0xFFFFE000  }
0x58: {  	[spmem:s3] =	stream.indirect.scatter.add.f32 [tilespmem:s20], [sflag:$0x3], $0x40, s0, s22, $0xb8;
	[tilespmem:$0x1CC00] =	vst v63  }
0x59: {  	_ =	swait.ge [sflag:s19], $0x2000  }
0x5a: {  	[sflag:s19] =	ssyncset.done $0x0  }
0x5b: {  	s0 =	sadd.s32 $0x100, s30;
	[sflag:s19] =	ssyncadd.s32 $0xFFFFE000  }
0x5c: {  	[tilespmem:s20], [sflag:$0x1] =	stream.indirect.gather [spmem:s2], $0x40, s0, s22, $0xb8;
	[tilespmem:$0x1CC00] =	vst v63  }
0x5d: {  	_ =	swait.ge [sflag:s25], $0x2000  }
.Ltmp1:
0x5e: {  	[sflag:s25] =	ssyncset.done $0x0;
	(pc) =	sbr.rel @p0 .LBB2_4-.Ltmp1, $4  }
0x5f: {  	s0 =	sadd.s32 $0x2880, s30;
	[sflag:s25] =	ssyncadd.s32 $0xFFFFE000  }
0x60: {  	[spmem:s3] =	stream.indirect.scatter.add.f32 [tilespmem:s23], [sflag:$0x3], $0x40, s0, s22, $0xb8;
	[tilespmem:$0x1CC00] =	vst v63  }
0x61: {  	_ =	swait.ge [sflag:s19], $0x2000  }
0x62: {  	s31 =	smov.u32 s5;
	s30 =	sshra.s32 s1, $0x2;
	[sflag:s19] =	ssyncset.done $0x0  }
0x63: {  	s0 =	sadd.s32 $0x80, s30;
	[sflag:s19] =	ssyncadd.s32 $0xFFFFE000  }
0x64: {  	[tilespmem:s23], [sflag:$0x2] =	stream.indirect.gather [spmem:s2], $0x40, s0, s22, $0xb8;
	[tilespmem:$0x1CC00] =	vst v63  }
0x65: {  	_ =	swait.ge [sflag:s24], $0x2000  }
0x66: {  	[sflag:s24] =	ssyncset.done $0x0  }
0x67: {  	s1 =	sadd.s32 $0x2800, s30;
	[sflag:s24] =	ssyncadd.s32 $0xFFFFE000  }
0x68: {  	[spmem:s3] =	stream.indirect.scatter.add.f32 [tilespmem:s20], [sflag:$0x3], $0x40, s1, s22, $0xb8;
	[tilespmem:$0x1CC00] =	vst v63  }
0x69: {  	_ =	swait.ge [sflag:s19], $0x2000  }
0x6a: {  	[sflag:s19] =	ssyncset.done $0x0  }
0x6b: {  	s5 =	sadd.s32 $0x100, s30;
	[sflag:s19] =	ssyncadd.s32 $0xFFFFE000  }
0x6c: {  	[tilespmem:s20], [sflag:$0x1] =	stream.indirect.gather [spmem:s2], $0x40, s5, s22, $0xb8;
	[tilespmem:$0x1CC00] =	vst v63  }
0x6d: {  	_ =	swait.ge [sflag:s25], $0x2000  }
0x6e: {  	[sflag:s25] =	ssyncset.done $0x0  }
0x6f: {  	s1 =	sadd.s32 $0x2880, s30;
	[sflag:s25] =	ssyncadd.s32 $0xFFFFE000  }
0x70: {  	[spmem:s3] =	stream.indirect.scatter.add.f32 [tilespmem:s23], [sflag:$0x3], $0x40, s1, s22, $0xb8;
	[tilespmem:$0x1CC00] =	vst v63  }
0x71: {  	_ =	swait.ge [sflag:s19], $0x2000  }
0x72: {  	[sflag:s19] =	ssyncset.done $0x0  }
0x73: {  	[sflag:s19] =	ssyncadd.s32 $0xFFFFE000  }
0x74: {  	[tilespmem:s23], [sflag:$0x2] =	stream.indirect.gather [spmem:s2], $0x40, s26, s22, $0xb8;
	[tilespmem:$0x1CC00] =	vst v63  }
0x75: {  	_ =	swait.ge [sflag:s24], $0x2000  }
0x76: {  	[sflag:s24] =	ssyncset.done $0x0  }
0x77: {  	[sflag:s24] =	ssyncadd.s32 $0xFFFFE000  }
0x78: {  	[spmem:s3] =	stream.indirect.scatter.add.f32 [tilespmem:s20], [sflag:$0x3], $0x40, s28, s22, $0xb8;
	[tilespmem:$0x1CC00] =	vst v63  }
0x79: {  	_ =	swait.ge [sflag:s19], $0x2000  }
0x7a: {  	[sflag:s19] =	ssyncset.done $0x0  }
0x7b: {  	[sflag:s19] =	ssyncadd.s32 $0xFFFFE000  }
0x7c: {  	_ =	swait.ge [sflag:s25], $0x2000  }
0x7d: {  	[sflag:s25] =	ssyncset.done $0x0  }
0x7e: {  	[sflag:s25] =	ssyncadd.s32 $0xFFFFE000  }
0x7f: {  	[spmem:s3] =	stream.indirect.scatter.add.f32 [tilespmem:s23], [sflag:$0x3], $0x40, s29, s22, $0xb8;
	[tilespmem:$0x1CC00] =	vst v63  }
0x80: {  	_ =	swait.ge [sflag:s19], $0x2000  }
0x81: {  	[sflag:s19] =	ssyncset.done $0x0  }
0x82: {  	s5 =	simm.s32 $0x0;
	[sflag:s19] =	ssyncadd.s32 $0xFFFFE000  }
0x83: {  	[tilespmem:s5], [sflag:$0x3] =	stream.linear.gather [hbm4b:s14+s5], $0x2800, $0x38;
	[tilespmem:$0x1CC00] =	vst v63  }
0x84: {  	_ =	swait.ge [sflag:s19], $0x2800  }
0x85: {  	[sflag:s19] =	ssyncset.done $0x0  }
0x86: {  	[sflag:s19] =	ssyncadd.s32 $0xFFFFD800  }
0x87: {  	[tilespmem:s21], [sflag:$0x3] =	stream.linear.gather [hbm4b:s15+s5], $0x2800, $0x38;
	[tilespmem:$0x1CC00] =	vst v63  }
0x88: {  	_ =	swait.ge [sflag:s19], $0x2800  }
0x89: {  	[sflag:s19] =	ssyncset.done $0x0  }
0x8a: {  	[sflag:s19] =	ssyncadd.s32 $0xFFFFD800  }
0x8b: {  	[tilespmem:s20], [sflag:$0x1] =	stream.indirect.gather [spmem:s2], $0x40, s5, s22, $0xb8;
	[tilespmem:$0x1CC00] =	vst v63  }
0x8c: {  	s1 =	simm.s32 $0x80  }
0x8d: {  	[tilespmem:s23], [sflag:$0x2] =	stream.indirect.gather [spmem:s2], $0x40, s1, s22, $0xb8;
	[tilespmem:$0x1CC00] =	vst v63  }
0x8e: {  	_ =	swait.ge [sflag:s24], $0x2000  }
0x8f: {  	[sflag:s24] =	ssyncset.done $0x0  }
0x90: {  	s5 =	simm.s32 $0x2800;
	[sflag:s24] =	ssyncadd.s32 $0xFFFFE000  }
0x91: {  	[spmem:s3] =	stream.indirect.scatter.add.f32 [tilespmem:s20], [sflag:$0x3], $0x40, s5, s22, $0xb8;
	[tilespmem:$0x1CC00] =	vst v63  }
0x92: {  	_ =	swait.ge [sflag:s19], $0x2000  }
0x93: {  	[sflag:s19] =	ssyncset.done $0x0  }
0x94: {  	s1 =	simm.s32 $0x100;
	[sflag:s19] =	ssyncadd.s32 $0xFFFFE000  }
0x95: {  	[tilespmem:s20], [sflag:$0x1] =	stream.indirect.gather [spmem:s2], $0x40, s1, s22, $0xb8;
	[tilespmem:$0x1CC00] =	vst v63  }
0x96: {  	_ =	swait.ge [sflag:s25], $0x2000  }
0x97: {  	[sflag:s25] =	ssyncset.done $0x0  }
0x98: {  	s5 =	simm.s32 $0x2880;
	[sflag:s25] =	ssyncadd.s32 $0xFFFFE000  }
0x99: {  	[spmem:s3] =	stream.indirect.scatter.add.f32 [tilespmem:s23], [sflag:$0x3], $0x40, s5, s22, $0xb8;
	[tilespmem:$0x1CC00] =	vst v63  }
0x9a: {  	_ =	swait.ge [sflag:s19], $0x2000  }
0x9b: {  	s31 =	simm.s32 $0x800;
	s30 =	simm.s32 $0x100;
	[sflag:s19] =	ssyncset.done $0x0  }
.LBB2_6:
0x9c: {  	s0 =	sadd.s32 $0x80, s30  }
0x9d: {  	[sflag:s19] =	ssyncadd.s32 $0xFFFFE000;
	s1 =	smov.u32 s31;
	s5 =	sadd.s32 $0x400, s31  }
0x9e: {  	[tilespmem:s23], [sflag:$0x2] =	stream.indirect.gather [spmem:s2], $0x40, s0, s22, $0xb8;
	[tilespmem:$0x1CC00] =	vst v63  }
0x9f: {  	p0 =	sne.s32 s31, $0x9800;
	_ =	swait.ge [sflag:s24], $0x2000  }
0xa0: {  	[sflag:s24] =	ssyncset.done $0x0  }
0xa1: {  	s0 =	sadd.s32 $0x2800, s30;
	[sflag:s24] =	ssyncadd.s32 $0xFFFFE000  }
0xa2: {  	[spmem:s3] =	stream.indirect.scatter.add.f32 [tilespmem:s20], [sflag:$0x3], $0x40, s0, s22, $0xb8;
	[tilespmem:$0x1CC00] =	vst v63  }
0xa3: {  	_ =	swait.ge [sflag:s19], $0x2000  }
0xa4: {  	[sflag:s19] =	ssyncset.done $0x0  }
0xa5: {  	s0 =	sadd.s32 $0x100, s30;
	[sflag:s19] =	ssyncadd.s32 $0xFFFFE000  }
0xa6: {  	[tilespmem:s20], [sflag:$0x1] =	stream.indirect.gather [spmem:s2], $0x40, s0, s22, $0xb8;
	[tilespmem:$0x1CC00] =	vst v63  }
0xa7: {  	_ =	swait.ge [sflag:s25], $0x2000  }
.Ltmp2:
0xa8: {  	[sflag:s25] =	ssyncset.done $0x0;
	(pc) =	sbr.rel @p0 .LBB2_6-.Ltmp2, $4  }
0xa9: {  	s0 =	sadd.s32 $0x2880, s30;
	[sflag:s25] =	ssyncadd.s32 $0xFFFFE000  }
0xaa: {  	[spmem:s3] =	stream.indirect.scatter.add.f32 [tilespmem:s23], [sflag:$0x3], $0x40, s0, s22, $0xb8;
	[tilespmem:$0x1CC00] =	vst v63  }
0xab: {  	_ =	swait.ge [sflag:s19], $0x2000  }
0xac: {  	s31 =	smov.u32 s5;
	s30 =	sshra.s32 s1, $0x2;
	[sflag:s19] =	ssyncset.done $0x0  }
0xad: {  	s0 =	sadd.s32 $0x80, s30;
	[sflag:s19] =	ssyncadd.s32 $0xFFFFE000  }
0xae: {  	[tilespmem:s23], [sflag:$0x2] =	stream.indirect.gather [spmem:s2], $0x40, s0, s22, $0xb8;
	[tilespmem:$0x1CC00] =	vst v63  }
0xaf: {  	_ =	swait.ge [sflag:s24], $0x2000  }
0xb0: {  	[sflag:s24] =	ssyncset.done $0x0  }
0xb1: {  	s1 =	sadd.s32 $0x2800, s30;
	[sflag:s24] =	ssyncadd.s32 $0xFFFFE000  }
0xb2: {  	[spmem:s3] =	stream.indirect.scatter.add.f32 [tilespmem:s20], [sflag:$0x3], $0x40, s1, s22, $0xb8;
	[tilespmem:$0x1CC00] =	vst v63  }
0xb3: {  	_ =	swait.ge [sflag:s19], $0x2000  }
0xb4: {  	[sflag:s19] =	ssyncset.done $0x0  }
0xb5: {  	s5 =	sadd.s32 $0x100, s30;
	[sflag:s19] =	ssyncadd.s32 $0xFFFFE000  }
0xb6: {  	[tilespmem:s20], [sflag:$0x1] =	stream.indirect.gather [spmem:s2], $0x40, s5, s22, $0xb8;
	[tilespmem:$0x1CC00] =	vst v63  }
0xb7: {  	_ =	swait.ge [sflag:s25], $0x2000  }
0xb8: {  	[sflag:s25] =	ssyncset.done $0x0  }
0xb9: {  	s30 =	sadd.s32 $0x2880, s30;
	[sflag:s25] =	ssyncadd.s32 $0xFFFFE000  }
0xba: {  	[spmem:s3] =	stream.indirect.scatter.add.f32 [tilespmem:s23], [sflag:$0x3], $0x40, s30, s22, $0xb8;
	[tilespmem:$0x1CC00] =	vst v63  }
0xbb: {  	_ =	swait.ge [sflag:s19], $0x2000  }
0xbc: {  	[sflag:s19] =	ssyncset.done $0x0  }
0xbd: {  	[sflag:s19] =	ssyncadd.s32 $0xFFFFE000  }
0xbe: {  	[tilespmem:s23], [sflag:$0x2] =	stream.indirect.gather [spmem:s2], $0x40, s26, s22, $0xb8;
	[tilespmem:$0x1CC00] =	vst v63  }
0xbf: {  	_ =	swait.ge [sflag:s24], $0x2000  }
0xc0: {  	[sflag:s24] =	ssyncset.done $0x0  }
0xc1: {  	[sflag:s24] =	ssyncadd.s32 $0xFFFFE000  }
0xc2: {  	[spmem:s3] =	stream.indirect.scatter.add.f32 [tilespmem:s20], [sflag:$0x3], $0x40, s28, s22, $0xb8;
	[tilespmem:$0x1CC00] =	vst v63  }
0xc3: {  	_ =	swait.ge [sflag:s19], $0x2000  }
0xc4: {  	[sflag:s19] =	ssyncset.done $0x0  }
0xc5: {  	[sflag:s19] =	ssyncadd.s32 $0xFFFFE000  }
0xc6: {  	_ =	swait.ge [sflag:s25], $0x2000  }
0xc7: {  	[sflag:s25] =	ssyncset.done $0x0  }
0xc8: {  	[sflag:s25] =	ssyncadd.s32 $0xFFFFE000  }
0xc9: {  	[spmem:s3] =	stream.indirect.scatter.add.f32 [tilespmem:s23], [sflag:$0x3], $0x40, s29, s22, $0xb8;
	[tilespmem:$0x1CC00] =	vst v63  }
0xca: {  	_ =	swait.ge [sflag:s19], $0x2000  }
0xcb: {  	s4 =	sadd.s32 $0x1, s4;
	[sflag:s19] =	ssyncset.done $0x0  }
0xcc: {  	p0 =	sne.s32 s4, s17;
	[sflag:s19] =	ssyncadd.s32 $0xFFFFE000  }
.Ltmp3:
0xcd: {  	s31 =	sshrl.u32 s7, $0x3;
	[bflag:$0x0] =	sbarrier.arrive $0xFFFF;
	(pc) =	sbr.rel @p0 .LBB2_1-.Ltmp3, $4  }
0xce: {  	[hbm:s16], [sflag:s6] =	dma.local [spmem:s31], $0x13C0  }
0xcf: {  	_ =	swait.ge [sflag:s19], $0x13C0  }
0xd0: {  	[sflag:s19] =	ssyncset.done $0x0  }
0xd1: {  	[sflag:s19] =	ssyncadd.s32 $0xFFFFEC40  }
0xd2: {  	_ =	sfence.sel $0x180000  }
0xd3: {  	[bflag:$0x0] =	sbarrier.arrive $0xFFFF  }
0xd4: {  	_ =	strace $0x90000047  }
0xd5: {  	s0 =	stileid.u32;
	[bflag:$0x2] =	sbarrier.arrive $0xFFFF  }
0xd6: {  	p0 =	sne.s32 s0, $0x0;
	s0 =	rddreg [dreg:$0x5]  }
0xd7: {  	s0 =	sadd.s32 @!p0 $0x100000, s0  }
0xd8: {  	[sflag:s0] =	ssyncadd.tile.s32 @!p0 $0x1;
	_ =	shalt  }
.Lfunc_end2:
_tile_overlayer_lowered:
.L_overlay_start_2:
0xd9: {  	(tag) =	ssettag $0x2  }
0xda: {  	s0 =	rddreg [dreg:$0x0];
	s2 =	stileid.u32  }
0xdb: {  	s1 =	rddreg [dreg:$0x1];
	p0 =	sne.s32 s2, $0x0  }
0xdc: {  	s3 =	rddreg [dreg:$0x2];
	[bflag:$0x3] =	sbarrier.arrive $0xFFFF;
	s2 =	simm.s32 @!p0 $0x1C03  }
0xdd: {  	[timem:s3], [sflag:s2] =	dma.local @!p0 [hbm:s0], s1  }
0xde: {  	s0 =	simm.s32 @!p0 $0x3  }
0xdf: {  	_ =	swait.ge @!p0 [sflag:s0], s1  }
0xe0: {  	s1 =	ssub.s32 @!p0 $0x0, s1;
	[sflag:s0] =	ssyncset.done @!p0 $0x0  }
0xe1: {  	[sflag:s0] =	ssyncadd.s32 @!p0 s1  }
0xe2: {  	[bflag:$0x3] =	sbarrier.arrive $0xFFFF  }
0xe3: {  	_ =	shalt  }

</sc_bundles>
